<compile_context>
chip_gen: v7x
topology: tpu7x:2x2x1
jax: 0.10.2.dev20260603
libtpu: 0.0.44.dev20260713+nightly
codegen_flags: <defaults>
</compile_context>

<pallas_src>
import functools

import jax
import jax.numpy as jnp
from jax import lax
from jax.experimental import pallas as pl
from jax.experimental.pallas import tpu as pltpu
from jax.experimental.pallas import tpu_sc as plsc

_B = 2048
_N = 262144
_H = 100

_ROWS = 8192


def _rowsum_body(phT, ehT, pxT, txT, wT, out):
    dh = ehT[...] - phT[...]
    sh = jnp.sum(dh * dh, axis=0)
    dx = txT[...] - pxT[...]
    sx = jnp.sum(dx * dx, axis=0) * wT[0, :]
    srows = (sh + sx).reshape(_ROWS // 128, 128)
    ri = lax.broadcasted_iota(jnp.int32, (128, 128), 0)
    ci = lax.broadcasted_iota(jnp.int32, (128, 128), 1)
    tri = (ri <= ci).astype(jnp.float32)
    out[...] = lax.dot_general(
        srows, tri, (((1,), (0,)), ((), ())),
        preferred_element_type=jnp.float32,
        precision=lax.Precision.HIGHEST)


def _per_atom_sums(ph, eh, px, tx, w):
    return pl.pallas_call(
        _rowsum_body,
        grid=(_N // _ROWS,),
        in_specs=[
            pl.BlockSpec((_H, _ROWS), lambda i: (0, i)),
            pl.BlockSpec((_H, _ROWS), lambda i: (0, i)),
            pl.BlockSpec((3, _ROWS), lambda i: (0, i)),
            pl.BlockSpec((3, _ROWS), lambda i: (0, i)),
            pl.BlockSpec((1, _ROWS), lambda i: (0, i)),
        ],
        out_specs=pl.BlockSpec((_ROWS // 128, 128), lambda i: (i, 0)),
        out_shape=jax.ShapeDtypeStruct((_N // 128, 128), jnp.float32),
        compiler_params=pltpu.CompilerParams(
            dimension_semantics=("arbitrary",)),
    )(ph.T, eh.T, px.T, tx.T, w.T)


_NC, _NS, _L = 2, 16, 16
_NW = _NC * _NS
_CHUNK = _N // _NW
_NROWS = _CHUNK // 128
_MAXB = _B + 32


def _seg_body(rc_hbm, idx_hbm, acc_out, cnt_out,
              rc_v, idx_v, rowbase_v, bpos_v, bval_v, ssum_v, scnt_v,
              zero_v, acc_sh, cnt_sh, sem_in, sem_sc):
    cid = lax.axis_index("c")
    sid = lax.axis_index("s")
    wid = sid * _NC + cid
    iota = lax.iota(jnp.int32, _L)

    cp_s = pltpu.async_copy(rc_hbm.at[pl.ds(wid * _CHUNK, _CHUNK)], rc_v,
                            sem_in)
    cp_i = pltpu.async_copy(idx_hbm.at[pl.ds(wid * _CHUNK, _CHUNK)], idx_v,
                            sem_in)

    @pl.when(sid == 0)
    def _init():
        def _fill_zero(k, _):
            zero_v[pl.ds(k * _L, _L)] = jnp.zeros((_L,), jnp.float32)
            return 0
        lax.fori_loop(0, _B // _L, _fill_zero, 0)
        pltpu.sync_copy(zero_v, acc_sh)
        pltpu.sync_copy(zero_v, cnt_sh)

    cp_s.wait()
    cp_i.wait()

    def _rowbase(m, carry):
        rt = plsc.load_gather(rc_v, [(m * _L + iota) * 128 + 127])
        rowbase_v[pl.ds(m * _L, _L)] = plsc.cumsum(rt) - rt + carry
        return carry + jnp.sum(rt)
    lax.fori_loop(0, _NROWS // _L, _rowbase, jnp.float32(0.0))

    def _bounds(j, off):
        v = idx_v[pl.ds(j * _L, _L)]
        prev = plsc.load_gather(idx_v, [jnp.maximum(j * _L - 1 + iota, 0)])
        mask = (v != prev) | ((iota == 0) & (j == 0))
        plsc.store_compressed(bpos_v.at[pl.ds(off, _L)], j * _L + iota,
                              mask=mask)
        plsc.store_compressed(bval_v.at[pl.ds(off, _L)], v, mask=mask)
        return off + jnp.max(plsc.all_reduce_population_count(mask))
    nb = lax.fori_loop(0, _CHUNK // _L, _bounds, jnp.int32(0))
    bpos_v[pl.ds(nb, _L)] = jnp.full((_L,), _CHUNK, jnp.int32)

    def _runs(t, _):
        kk = t * _L
        pv = plsc.load_gather(bpos_v, [kk + iota])
        pv1 = plsc.load_gather(bpos_v, [kk + 1 + iota])
        val = plsc.load_gather(bval_v, [kk + iota])
        valid = (kk + iota) < nb
        q1 = jnp.clip(pv1 - 1, 0, _CHUNK - 1)
        q0 = jnp.clip(pv - 1, 0, _CHUNK - 1)
        cs1 = plsc.load_gather(rc_v, [q1]) \
            + plsc.load_gather(rowbase_v, [q1 >> 7])
        cs0 = plsc.load_gather(rc_v, [q0]) \
            + plsc.load_gather(rowbase_v, [q0 >> 7])
        cs0 = jnp.where(pv > 0, cs0, 0.0)
        ssum_v[pl.ds(kk, _L)] = jnp.where(valid, cs1 - cs0, 0.0)
        scnt_v[pl.ds(kk, _L)] = jnp.where(
            valid, (pv1 - pv).astype(jnp.float32), 0.0)
        bval_v[pl.ds(kk, _L)] = jnp.where(valid, val, 0)
        return 0
    n16 = (nb + _L - 1) >> 4
    lax.fori_loop(0, n16, _runs, 0)

    def _pad(m, _):
        kk = m * _L
        ssum_v[pl.ds(kk, _L)] = jnp.zeros((_L,), jnp.float32)
        scnt_v[pl.ds(kk, _L)] = jnp.zeros((_L,), jnp.float32)
        bval_v[pl.ds(kk, _L)] = jnp.zeros((_L,), jnp.int32)
        return 0
    lax.fori_loop(n16, ((nb + 127) >> 7) << 3, _pad, 0)

    plsc.subcore_barrier()

    def _scatter(t, _):
        pltpu.sync_copy(ssum_v.at[pl.ds(t * 128, 128)],
                        acc_sh.at[bval_v.at[pl.ds(t * 128, 128)]], add=True)
        pltpu.sync_copy(scnt_v.at[pl.ds(t * 128, 128)],
                        cnt_sh.at[bval_v.at[pl.ds(t * 128, 128)]], add=True)
        return 0
    lax.fori_loop(0, (nb + 127) >> 7, _scatter, 0)

    plsc.subcore_barrier()

    @pl.when(sid == 0)
    def _publish():
        pltpu.sync_copy(acc_sh, acc_out.at[cid])
        pltpu.sync_copy(cnt_sh, cnt_out.at[cid])


def _segment_partials(s2d, idx2d):
    mesh = plsc.VectorSubcoreMesh(
        core_axis_name="c", subcore_axis_name="s",
        num_cores=_NC, num_subcores=_NS)
    fn = functools.partial(
        pl.kernel,
        out_type=[jax.ShapeDtypeStruct((_NC, _B), jnp.float32),
                  jax.ShapeDtypeStruct((_NC, _B), jnp.float32)],
        mesh=mesh,
        scratch_types=[
            pltpu.VMEM((_CHUNK,), jnp.float32),
            pltpu.VMEM((_CHUNK,), jnp.int32),
            pltpu.VMEM((_NROWS + _L,), jnp.float32),
            pltpu.VMEM((_MAXB,), jnp.int32),
            pltpu.VMEM((_MAXB,), jnp.int32),
            pltpu.VMEM((_MAXB,), jnp.float32),
            pltpu.VMEM((_MAXB,), jnp.float32),
            pltpu.VMEM((_B,), jnp.float32),
            pltpu.VMEM_SHARED((_B,), jnp.float32),
            pltpu.VMEM_SHARED((_B,), jnp.float32),
            pltpu.SemaphoreType.DMA,
            pltpu.SemaphoreType.DMA,
        ],
        compiler_params=pltpu.CompilerParams(needs_layout_passes=False),
    )(_seg_body)
    return fn(s2d, idx2d)


def _combine_body(acc, cnt, psv, smv, out):
    seg = acc[0:1, :] + acc[1:2, :]
    c = jnp.maximum(cnt[0:1, :] + cnt[1:2, :], 1.0)
    part = jnp.sum(seg / c)
    d = psv[...] - smv[...]
    errl = jnp.sum(d * d) / (smv.shape[0] * smv.shape[1])
    out[0, 0] = part / _B + errl


def _combine(acc, cnt, psv, smv):
    return pl.pallas_call(
        _combine_body,
        in_specs=[pl.BlockSpec(memory_space=pltpu.VMEM)] * 4,
        out_specs=pl.BlockSpec(memory_space=pltpu.SMEM),
        out_shape=jax.ShapeDtypeStruct((1, 1), jnp.float32),
    )(acc, cnt, psv, smv)


def kernel(pred_eps_x, target_eps_x, weights_x, pred_eps_h, eps_h,
           pred_symmetric_vector, symmetric_matrix_vector, batch_idx):
    s2d = _per_atom_sums(pred_eps_h, eps_h, pred_eps_x, target_eps_x,
                         weights_x)
    acc, cnt = _segment_partials(s2d.reshape(_N), batch_idx)
    out = _combine(acc, cnt, pred_symmetric_vector, symmetric_matrix_vector)
    return out[0, 0]

# --- scband reference (transcript-rebuilt; emitter-appended) ---
"""Pipeline reference for scband-diffusion-loss-64690797412968 (READ-ONLY COPY).

The authoritative reference and input builder live on the scoring server;
editing this copy changes nothing except your own understanding.
"""

import jax, jax.numpy as jnp
import numpy as np

B = 2048
N = 262144
H = 100

def setup_inputs(seed: int = 0) -> dict:
    key = jax.random.key(seed)
    ks = jax.random.split(key, 8)
    pred_eps_x = jax.random.normal(ks[0], (N, 3), dtype=jnp.float32)
    target_eps_x = jax.random.normal(ks[1], (N, 3), dtype=jnp.float32)
    weights_x = jax.random.uniform(ks[2], (N, 1), dtype=jnp.float32)
    pred_eps_h = jax.random.normal(ks[3], (N, H), dtype=jnp.float32)
    eps_h = jax.random.normal(ks[4], (N, H), dtype=jnp.float32)
    pred_symmetric_vector = jax.random.normal(ks[5], (B, 6), dtype=jnp.float32)
    symmetric_matrix_vector = jax.random.normal(ks[6], (B, 6), dtype=jnp.float32)
    batch_idx = jnp.sort(jax.random.randint(ks[7], (N,), 0, B)).astype(jnp.int32)
    return {
        'pred_eps_x': pred_eps_x,
        'target_eps_x': target_eps_x,
        'weights_x': weights_x,
        'pred_eps_h': pred_eps_h,
        'eps_h': eps_h,
        'pred_symmetric_vector': pred_symmetric_vector,
        'symmetric_matrix_vector': symmetric_matrix_vector,
        'batch_idx': batch_idx,
    }


def _segment_mean(data, segment_ids, num_segments):
    # scatter(..., reduce='mean') equivalent: segment_sum / segment counts
    s = jax.ops.segment_sum(data, segment_ids, num_segments=num_segments)
    cnt = jax.ops.segment_sum(jnp.ones((data.shape[0], 1), dtype=data.dtype),
                              segment_ids, num_segments=num_segments)
    return s / jnp.maximum(cnt, 1.0)


def reference(pred_eps_x, target_eps_x, weights_x, pred_eps_h, eps_h,
              pred_symmetric_vector, symmetric_matrix_vector, batch_idx):
    # error_x = scatter_mean(weights * (eps - pred_eps)**2, batch).sum(-1)
    err_x = _segment_mean(weights_x * (target_eps_x - pred_eps_x) ** 2,
                          batch_idx, B).sum(-1)
    # error_h = scatter_mean((eps - pred_eps)**2, batch).sum(-1)
    err_h = _segment_mean((eps_h - pred_eps_h) ** 2, batch_idx, B).sum(-1)
    # error_l = F.mse_loss(pred_symmetric_vector, symmetric_matrix_vector)
    err_l = jnp.mean((pred_symmetric_vector - symmetric_matrix_vector) ** 2)
    # loss = cost_coord_coeff * error_x + cost_type_coeff * error_h + lattice_coeff * error_l
    loss = 1.0 * err_x + 1.0 * err_h + 1.0 * err_l
    return loss.mean()

if __name__ == "__main__":
    import jax
    _d = setup_inputs()
    print(jax.jit(kernel)(*tuple(_d.values())))

</pallas_src>

<mosaic_0001>
#map = affine_map<(d0, d1) -> (0)>
#map1 = affine_map<(d0, d1) -> (0, 0)>
module attributes {stable_mosaic.version = 14 : i64} {
  func.func @_seg_body(%arg0: i32, %arg1: i32, %arg2: memref<262144xf32, #tpu.memory_space<hbm>>, %arg3: memref<262144xi32, #tpu.memory_space<hbm>>, %arg4: memref<2x2048xf32, #tpu.memory_space<hbm>>, %arg5: memref<2x2048xf32, #tpu.memory_space<hbm>>, %arg6: memref<8192xf32, #tpu.memory_space<vmem>>, %arg7: memref<8192xi32, #tpu.memory_space<vmem>>, %arg8: memref<80xf32, #tpu.memory_space<vmem>>, %arg9: memref<2080xi32, #tpu.memory_space<vmem>>, %arg10: memref<2080xi32, #tpu.memory_space<vmem>>, %arg11: memref<2080xf32, #tpu.memory_space<vmem>>, %arg12: memref<2080xf32, #tpu.memory_space<vmem>>, %arg13: memref<2048xf32, #tpu.memory_space<vmem>>, %arg14: memref<2048xf32, #tpu.memory_space<vmem_shared>>, %arg15: memref<2048xf32, #tpu.memory_space<vmem_shared>>, %arg16: memref<!tpu.dma_semaphore, #tpu.memory_space<semaphore_mem>>, %arg17: memref<!tpu.dma_semaphore, #tpu.memory_space<semaphore_mem>>) attributes {dimension_semantics = [#tpu.dimension_semantics<core_parallel>, #tpu.dimension_semantics<subcore_parallel>], iteration_bounds = array<i64: 2, 16>, scalar_prefetch = 0 : i64, scratch_operands = 12 : i64, tpu.core_type = #tpu.core_type<sc_vector_subcore>, window_params = [{transform_indices = #map}, {transform_indices = #map}, {transform_indices = #map1}, {transform_indices = #map1}]} {
    %mul3A = arith.constant 2 : i32
    %mul3A_0 = arith.muli %arg1, %mul3A : i32
    %add3A = arith.addi %mul3A_0, %arg0 : i32
    %iota3A = tpu.iota {dimensions = array<i32: 0>} : vector<16xi32>
    %mul3A_1 = arith.constant 8192 : i32
    %mul3A_2 = arith.muli %add3A, %mul3A_1 : i32
    %dma_start3A = tpu.memref_slice %arg2[%mul3A_2] : memref<262144xf32, #tpu.memory_space<hbm>> -> memref<8192xf32, #tpu.memory_space<hbm>>
    %dma_start3A_3 = tpu.memref_slice %arg2[%mul3A_2] : memref<262144xf32, #tpu.memory_space<hbm>> -> memref<8192xf32, #tpu.memory_space<hbm>>
    tpu.enqueue_dma source(%dma_start3A_3 : memref<8192xf32, #tpu.memory_space<hbm>>) target(%arg6 : memref<8192xf32, #tpu.memory_space<vmem>>) target_semaphore(%arg16 : memref<!tpu.dma_semaphore, #tpu.memory_space<semaphore_mem>>)
    %mul3A_4 = arith.constant 8192 : i32
    %mul3A_5 = arith.muli %add3A, %mul3A_4 : i32
    %dma_start3A_6 = tpu.memref_slice %arg3[%mul3A_5] : memref<262144xi32, #tpu.memory_space<hbm>> -> memref<8192xi32, #tpu.memory_space<hbm>>
    %dma_start3A_7 = tpu.memref_slice %arg3[%mul3A_5] : memref<262144xi32, #tpu.memory_space<hbm>> -> memref<8192xi32, #tpu.memory_space<hbm>>
    tpu.enqueue_dma source(%dma_start3A_7 : memref<8192xi32, #tpu.memory_space<hbm>>) target(%arg7 : memref<8192xi32, #tpu.memory_space<vmem>>) target_semaphore(%arg16 : memref<!tpu.dma_semaphore, #tpu.memory_space<semaphore_mem>>)
    %eq3A = arith.constant 0 : i32
    %eq3A_8 = arith.cmpi eq, %arg1, %eq3A : i32
    %convert_element_type3A = arith.extui %eq3A_8 : i1 to i32
    %cond3A = arith.constant 0 : i32
    %cond3A_9 = arith.cmpi ne, %convert_element_type3A, %cond3A : i32
    scf.if %cond3A_9 {
      %scan3A_81 = arith.constant 0 : i32
      %scan3A_82 = arith.constant 0 : i32
      %scan3A_83 = arith.constant 128 : i32
      %scan3A_84 = arith.addi %scan3A_82, %scan3A_83 : i32
      %scan3A_85 = arith.constant 1 : i32
      %scan3A_86 = scf.for %scan3A_88 = %scan3A_82 to %scan3A_84 step %scan3A_85 iter_args(%scan3A_89 = %scan3A_81) -> (i32)  : i32 {
        %broadcast_in_dim3A_90 = arith.constant 0.000000e+00 : f32
        %broadcast_in_dim3A_91 = vector.broadcast %broadcast_in_dim3A_90 : f32 to vector<16xf32>
        %mul3A_92 = arith.constant 16 : i32
        %mul3A_93 = arith.muli %scan3A_88, %mul3A_92 : i32
        %swap3A_94 = arith.index_cast %mul3A_93 : i32 to index
        %swap3A_95 = tpu.vector_load %arg13[%swap3A_94] {strides = array<i32>} : memref<2048xf32, #tpu.memory_space<vmem>>, vector<16xf32>,
        tpu.vector_store %arg13[%swap3A_94], %broadcast_in_dim3A_91 {strides = array<i32>} : memref<2048xf32, #tpu.memory_space<vmem>>, vector<16xf32>,
        %scan3A_96 = arith.constant 0 : i32
        scf.yield %scan3A_96 : i32
      }
      %scan3A_87 = arith.constant 128 : i32
      "tpu.region"() ({
        %run_scoped3A = tpu.sem_alloc : memref<!tpu.dma_semaphore, #tpu.memory_space<semaphore_mem>>
        tpu.enqueue_dma source(%arg13 : memref<2048xf32, #tpu.memory_space<vmem>>) target(%arg14 : memref<2048xf32, #tpu.memory_space<vmem_shared>>) target_semaphore(%run_scoped3A : memref<!tpu.dma_semaphore, #tpu.memory_space<semaphore_mem>>)
        tpu.wait_dma2 semaphore(%run_scoped3A : memref<!tpu.dma_semaphore, #tpu.memory_space<semaphore_mem>>) src(%arg13 : memref<2048xf32, #tpu.memory_space<vmem>>) dst(%arg14 : memref<2048xf32, #tpu.memory_space<vmem_shared>>)
        tpu.yield
      }) : () -> ()
      "tpu.region"() ({
        %run_scoped3A = tpu.sem_alloc : memref<!tpu.dma_semaphore, #tpu.memory_space<semaphore_mem>>
        tpu.enqueue_dma source(%arg13 : memref<2048xf32, #tpu.memory_space<vmem>>) target(%arg15 : memref<2048xf32, #tpu.memory_space<vmem_shared>>) target_semaphore(%run_scoped3A : memref<!tpu.dma_semaphore, #tpu.memory_space<semaphore_mem>>)
        tpu.wait_dma2 semaphore(%run_scoped3A : memref<!tpu.dma_semaphore, #tpu.memory_space<semaphore_mem>>) src(%arg13 : memref<2048xf32, #tpu.memory_space<vmem>>) dst(%arg15 : memref<2048xf32, #tpu.memory_space<vmem_shared>>)
        tpu.yield
      }) : () -> ()
    } else {
    }
    %dma_wait3A = tpu.memref_slice %arg2[%mul3A_2] : memref<262144xf32, #tpu.memory_space<hbm>> -> memref<8192xf32, #tpu.memory_space<hbm>>
    %dma_wait3A_10 = tpu.memref_slice %arg2[%mul3A_2] : memref<262144xf32, #tpu.memory_space<hbm>> -> memref<8192xf32, #tpu.memory_space<hbm>>
    tpu.wait_dma2 semaphore(%arg16 : memref<!tpu.dma_semaphore, #tpu.memory_space<semaphore_mem>>) src(%dma_wait3A_10 : memref<8192xf32, #tpu.memory_space<hbm>>) dst(%arg6 : memref<8192xf32, #tpu.memory_space<vmem>>)
    %dma_wait3A_11 = tpu.memref_slice %arg3[%mul3A_5] : memref<262144xi32, #tpu.memory_space<hbm>> -> memref<8192xi32, #tpu.memory_space<hbm>>
    %dma_wait3A_12 = tpu.memref_slice %arg3[%mul3A_5] : memref<262144xi32, #tpu.memory_space<hbm>> -> memref<8192xi32, #tpu.memory_space<hbm>>
    tpu.wait_dma2 semaphore(%arg16 : memref<!tpu.dma_semaphore, #tpu.memory_space<semaphore_mem>>) src(%dma_wait3A_12 : memref<8192xi32, #tpu.memory_space<hbm>>) dst(%arg7 : memref<8192xi32, #tpu.memory_space<vmem>>)
    %scan3A = arith.constant 0.000000e+00 : f32
    %scan3A_13 = arith.constant 0 : i32
    %scan3A_14 = arith.constant 4 : i32
    %scan3A_15 = arith.addi %scan3A_13, %scan3A_14 : i32
    %scan3A_16 = arith.constant 1 : i32
    %scan3A_17 = scf.for %scan3A_81 = %scan3A_13 to %scan3A_15 step %scan3A_16 iter_args(%scan3A_82 = %scan3A) -> (f32)  : i32 {
      %mul3A_83 = arith.constant 16 : i32
      %mul3A_84 = arith.muli %scan3A_81, %mul3A_83 : i32
      %add3A_85 = vector.broadcast %mul3A_84 : i32 to vector<16xi32>
      %add3A_86 = arith.addi %add3A_85, %iota3A : vector<16xi32>
      %mul3A_87 = arith.constant 128 : i32
      %mul3A_88 = vector.broadcast %mul3A_87 : i32 to vector<16xi32>
      %mul3A_89 = arith.muli %add3A_86, %mul3A_88 : vector<16xi32>
      %add3A_90 = arith.constant 127 : i32
      %add3A_91 = vector.broadcast %add3A_90 : i32 to vector<16xi32>
      %add3A_92 = arith.addi %mul3A_89, %add3A_91 : vector<16xi32>
      %gather3A = tpu.vector_load_idx %arg6[%add3A_92] : memref<8192xf32, #tpu.memory_space<vmem>>[vector<16xi32>], vector<16xf32>,
      %broadcast_in_dim3A_93 = arith.constant true
      %broadcast_in_dim3A_94 = vector.broadcast %broadcast_in_dim3A_93 : i1 to vector<16xi1>
      %masked_cumsum3A = tpu.scan <sum>, %gather3A masked %broadcast_in_dim3A_94 : vector<16xf32>, vector<16xi1> -> vector<16xf32>
      %sub3A_95 = arith.subf %masked_cumsum3A, %gather3A : vector<16xf32>
      %add3A_96 = vector.broadcast %scan3A_82 : f32 to vector<16xf32>
      %add3A_97 = arith.addf %sub3A_95, %add3A_96 : vector<16xf32>
      %mul3A_98 = arith.constant 16 : i32
      %mul3A_99 = arith.muli %scan3A_81, %mul3A_98 : i32
      %swap3A_100 = arith.index_cast %mul3A_99 : i32 to index
      %swap3A_101 = tpu.vector_load %arg8[%swap3A_100] {strides = array<i32>} : memref<80xf32, #tpu.memory_space<vmem>>, vector<16xf32>,
      tpu.vector_store %arg8[%swap3A_100], %add3A_97 {strides = array<i32>} : memref<80xf32, #tpu.memory_space<vmem>>, vector<16xf32>,
      %reduce_sum3A = arith.constant true
      %reduce_sum3A_102 = vector.broadcast %reduce_sum3A : i1 to vector<16xi1>
      %reduce_sum3A_103 = tpu.scan <sum>, %gather3A masked %reduce_sum3A_102 : vector<16xf32>, vector<16xi1> -> vector<16xf32>
      %reduce_sum3A_104 = vector.extract %reduce_sum3A_103[15] : f32 from vector<16xf32>
      %add3A_105 = arith.addf %scan3A_82, %reduce_sum3A_104 : f32
      scf.yield %add3A_105 : f32
    }
    %scan3A_18 = arith.constant 4 : i32
    %scan3A_19 = arith.constant 0 : i32
    %scan3A_20 = arith.constant 0 : i32
    %scan3A_21 = arith.constant 512 : i32
    %scan3A_22 = arith.addi %scan3A_20, %scan3A_21 : i32
    %scan3A_23 = arith.constant 1 : i32
    %scan3A_24 = scf.for %scan3A_81 = %scan3A_20 to %scan3A_22 step %scan3A_23 iter_args(%scan3A_82 = %scan3A_19) -> (i32)  : i32 {
      %mul3A_83 = arith.constant 16 : i32
      %mul3A_84 = arith.muli %scan3A_81, %mul3A_83 : i32
      %get3A = arith.index_cast %mul3A_84 : i32 to index
      %get3A_85 = tpu.vector_load %arg7[%get3A] {strides = array<i32>} : memref<8192xi32, #tpu.memory_space<vmem>>, vector<16xi32>,
      %mul3A_86 = arith.constant 16 : i32
      %mul3A_87 = arith.muli %scan3A_81, %mul3A_86 : i32
      %sub3A_88 = arith.constant 1 : i32
      %sub3A_89 = arith.subi %mul3A_87, %sub3A_88 : i32
      %add3A_90 = vector.broadcast %sub3A_89 : i32 to vector<16xi32>
      %add3A_91 = arith.addi %add3A_90, %iota3A : vector<16xi32>
      %max3A = arith.constant 0 : i32
      %max3A_92 = vector.broadcast %max3A : i32 to vector<16xi32>
      %max3A_93 = arith.maxsi %add3A_91, %max3A_92 : vector<16xi32>
      %gather3A = tpu.vector_load_idx %arg7[%max3A_93] : memref<8192xi32, #tpu.memory_space<vmem>>[vector<16xi32>], vector<16xi32>,
      %ne3A = arith.cmpi ne, %get3A_85, %gather3A : vector<16xi32>
      %eq3A_94 = arith.constant 0 : i32
      %eq3A_95 = vector.broadcast %eq3A_94 : i32 to vector<16xi32>
      %eq3A_96 = arith.cmpi eq, %iota3A, %eq3A_95 : vector<16xi32>
      %eq3A_97 = arith.constant 0 : i32
      %eq3A_98 = arith.cmpi eq, %scan3A_81, %eq3A_97 : i32
      %and3A = vector.broadcast %eq3A_98 : i1 to vector<16xi1>
      %and3A_99 = arith.andi %eq3A_96, %and3A : vector<16xi1>
      %or3A = arith.ori %ne3A, %and3A_99 : vector<16xi1>
      %mul3A_100 = arith.constant 16 : i32
      %mul3A_101 = arith.muli %scan3A_81, %mul3A_100 : i32
      %add3A_102 = vector.broadcast %mul3A_101 : i32 to vector<16xi32>
      %add3A_103 = arith.addi %add3A_102, %iota3A : vector<16xi32>
      %swap3A_104 = arith.index_cast %scan3A_82 : i32 to index
      %swap3A_105 = tpu.vector_load %arg9[%swap3A_104] masked %or3A {strides = array<i32>} : memref<2080xi32, #tpu.memory_space<vmem>>, vector<16xi32>, vector<16xi1>
      tpu.vector_store %arg9[%swap3A_104], %add3A_103 masked %or3A {strides = array<i32>} : memref<2080xi32, #tpu.memory_space<vmem>>, vector<16xi32>, vector<16xi1>
      %swap3A_106 = arith.index_cast %scan3A_82 : i32 to index
      %swap3A_107 = tpu.vector_load %arg10[%swap3A_106] masked %or3A {strides = array<i32>} : memref<2080xi32, #tpu.memory_space<vmem>>, vector<16xi32>, vector<16xi1>
      tpu.vector_store %arg10[%swap3A_106], %get3A_85 masked %or3A {strides = array<i32>} : memref<2080xi32, #tpu.memory_space<vmem>>, vector<16xi32>, vector<16xi1>
      %all_reduce_population_count3A = tpu.all_reduce %or3A {dim = 0 : i64, kind = #tpu.reduction_kind<sum>} : vector<16xi1> -> vector<16xi32>
      %reduce_max3A = arith.constant true
      %reduce_max3A_108 = vector.broadcast %reduce_max3A : i1 to vector<16xi1>
      %reduce_max3A_109 = arith.constant -2147483648 : i32
      %reduce_max3A_110 = vector.broadcast %reduce_max3A_109 : i32 to vector<16xi32>
      %reduce_max3A_111 = arith.xori %all_reduce_population_count3A, %reduce_max3A_110 : vector<16xi32>
      %reduce_max3A_112 = tpu.scan <max>, %reduce_max3A_111 masked %reduce_max3A_108 : vector<16xi32>, vector<16xi1> -> vector<16xi32>
      %reduce_max3A_113 = arith.xori %reduce_max3A_112, %reduce_max3A_110 : vector<16xi32>
      %reduce_max3A_114 = vector.extract %reduce_max3A_113[15] : i32 from vector<16xi32>
      %add3A_115 = arith.addi %scan3A_82, %reduce_max3A_114 : i32
      scf.yield %add3A_115 : i32
    }
    %scan3A_25 = arith.constant 512 : i32
    %broadcast_in_dim3A = arith.constant 8192 : i32
    %broadcast_in_dim3A_26 = vector.broadcast %broadcast_in_dim3A : i32 to vector<16xi32>
    %swap3A = arith.index_cast %scan3A_24 : i32 to index
    %swap3A_27 = tpu.vector_load %arg9[%swap3A] {strides = array<i32>} : memref<2080xi32, #tpu.memory_space<vmem>>, vector<16xi32>,
    tpu.vector_store %arg9[%swap3A], %broadcast_in_dim3A_26 {strides = array<i32>} : memref<2080xi32, #tpu.memory_space<vmem>>, vector<16xi32>,
    %add3A_28 = arith.constant 16 : i32
    %add3A_29 = arith.addi %scan3A_24, %add3A_28 : i32
    %sub3A = arith.constant 1 : i32
    %sub3A_30 = arith.subi %add3A_29, %sub3A : i32
    %shift_right_arithmetic3A = arith.constant 4 : i32
    %shift_right_arithmetic3A_31 = arith.shrsi %sub3A_30, %shift_right_arithmetic3A : i32
    %while3A = arith.constant 0 : i32
    %while3A_32 = arith.constant 0 : i32
    %while3A_33 = arith.subi %shift_right_arithmetic3A_31, %while3A : i32
    %while3A_34 = arith.addi %while3A, %while3A_33 : i32
    %while3A_35 = arith.constant 1 : i32
    %while3A_36 = arith.divsi %while3A_33, %while3A_35 : i32
    %while3A_37 = arith.muli %while3A_36, %while3A_35 : i32
    %while3A_38 = arith.addi %while3A, %while3A_37 : i32
    %while3A_39 = arith.constant 1 : i32
    %while3A_40 = scf.for %while3A_81 = %while3A to %while3A_38 step %while3A_39 iter_args(%while3A_82 = %while3A_32) -> (i32)  : i32 {
      %mul3A_83 = arith.constant 16 : i32
      %mul3A_84 = arith.muli %while3A_81, %mul3A_83 : i32
      %add3A_85 = vector.broadcast %mul3A_84 : i32 to vector<16xi32>
      %add3A_86 = arith.addi %add3A_85, %iota3A : vector<16xi32>
      %gather3A = tpu.vector_load_idx %arg9[%add3A_86] : memref<2080xi32, #tpu.memory_space<vmem>>[vector<16xi32>], vector<16xi32>,
      %add3A_87 = arith.constant 1 : i32
      %add3A_88 = arith.addi %mul3A_84, %add3A_87 : i32
      %add3A_89 = vector.broadcast %add3A_88 : i32 to vector<16xi32>
      %add3A_90 = arith.addi %add3A_89, %iota3A : vector<16xi32>
      %gather3A_91 = tpu.vector_load_idx %arg9[%add3A_90] : memref<2080xi32, #tpu.memory_space<vmem>>[vector<16xi32>], vector<16xi32>,
      %add3A_92 = vector.broadcast %mul3A_84 : i32 to vector<16xi32>
      %add3A_93 = arith.addi %add3A_92, %iota3A : vector<16xi32>
      %gather3A_94 = tpu.vector_load_idx %arg10[%add3A_93] : memref<2080xi32, #tpu.memory_space<vmem>>[vector<16xi32>], vector<16xi32>,
      %add3A_95 = vector.broadcast %mul3A_84 : i32 to vector<16xi32>
      %add3A_96 = arith.addi %add3A_95, %iota3A : vector<16xi32>
      %lt3A = vector.broadcast %scan3A_24 : i32 to vector<16xi32>
      %lt3A_97 = arith.cmpi slt, %add3A_96, %lt3A : vector<16xi32>
      %sub3A_98 = arith.constant 1 : i32
      %sub3A_99 = vector.broadcast %sub3A_98 : i32 to vector<16xi32>
      %sub3A_100 = arith.subi %gather3A_91, %sub3A_99 : vector<16xi32>
      %jit3A = arith.constant 0 : i32
      %jit3A_101 = arith.constant 8191 : i32
      %max3A = vector.broadcast %jit3A : i32 to vector<16xi32>
      %max3A_102 = arith.maxsi %max3A, %sub3A_100 : vector<16xi32>
      %min3A = vector.broadcast %jit3A_101 : i32 to vector<16xi32>
      %min3A_103 = arith.minsi %min3A, %max3A_102 : vector<16xi32>
      %sub3A_104 = arith.constant 1 : i32
      %sub3A_105 = vector.broadcast %sub3A_104 : i32 to vector<16xi32>
      %sub3A_106 = arith.subi %gather3A, %sub3A_105 : vector<16xi32>
      %jit3A_107 = arith.constant 0 : i32
      %jit3A_108 = arith.constant 8191 : i32
      %max3A_109 = vector.broadcast %jit3A_107 : i32 to vector<16xi32>
      %max3A_110 = arith.maxsi %max3A_109, %sub3A_106 : vector<16xi32>
      %min3A_111 = vector.broadcast %jit3A_108 : i32 to vector<16xi32>
      %min3A_112 = arith.minsi %min3A_111, %max3A_110 : vector<16xi32>
      %gather3A_113 = tpu.vector_load_idx %arg6[%min3A_103] : memref<8192xf32, #tpu.memory_space<vmem>>[vector<16xi32>], vector<16xf32>,
      %shift_right_arithmetic3A_114 = arith.constant 7 : i32
      %shift_right_arithmetic3A_115 = vector.broadcast %shift_right_arithmetic3A_114 : i32 to vector<16xi32>
      %shift_right_arithmetic3A_116 = arith.shrsi %min3A_103, %shift_right_arithmetic3A_115 : vector<16xi32>
      %gather3A_117 = tpu.vector_load_idx %arg8[%shift_right_arithmetic3A_116] : memref<80xf32, #tpu.memory_space<vmem>>[vector<16xi32>], vector<16xf32>,
      %add3A_118 = arith.addf %gather3A_113, %gather3A_117 : vector<16xf32>
      %gather3A_119 = tpu.vector_load_idx %arg6[%min3A_112] : memref<8192xf32, #tpu.memory_space<vmem>>[vector<16xi32>], vector<16xf32>,
      %shift_right_arithmetic3A_120 = arith.constant 7 : i32
      %shift_right_arithmetic3A_121 = vector.broadcast %shift_right_arithmetic3A_120 : i32 to vector<16xi32>
      %shift_right_arithmetic3A_122 = arith.shrsi %min3A_112, %shift_right_arithmetic3A_121 : vector<16xi32>
      %gather3A_123 = tpu.vector_load_idx %arg8[%shift_right_arithmetic3A_122] : memref<80xf32, #tpu.memory_space<vmem>>[vector<16xi32>], vector<16xf32>,
      %add3A_124 = arith.addf %gather3A_119, %gather3A_123 : vector<16xf32>
      %gt3A = arith.constant 0 : i32
      %gt3A_125 = vector.broadcast %gt3A : i32 to vector<16xi32>
      %gt3A_126 = arith.cmpi sgt, %gather3A, %gt3A_125 : vector<16xi32>
      %jit3A_127 = arith.constant 0.000000e+00 : f32
      %broadcast_in_dim3A_128 = vector.broadcast %jit3A_127 : f32 to vector<16xf32>
      %select_n3A = arith.select %gt3A_126, %add3A_124, %broadcast_in_dim3A_128 : vector<16xi1>, vector<16xf32>
      %sub3A_129 = arith.subf %add3A_118, %select_n3A : vector<16xf32>
      %jit3A_130 = arith.constant 0.000000e+00 : f32
      %broadcast_in_dim3A_131 = vector.broadcast %jit3A_130 : f32 to vector<16xf32>
      %select_n3A_132 = arith.select %lt3A_97, %sub3A_129, %broadcast_in_dim3A_131 : vector<16xi1>, vector<16xf32>
      %swap3A_133 = arith.index_cast %mul3A_84 : i32 to index
      %swap3A_134 = tpu.vector_load %arg11[%swap3A_133] {strides = array<i32>} : memref<2080xf32, #tpu.memory_space<vmem>>, vector<16xf32>,
      tpu.vector_store %arg11[%swap3A_133], %select_n3A_132 {strides = array<i32>} : memref<2080xf32, #tpu.memory_space<vmem>>, vector<16xf32>,
      %sub3A_135 = arith.subi %gather3A_91, %gather3A : vector<16xi32>
      %convert_element_type3A_136 = arith.sitofp %sub3A_135 : vector<16xi32> to vector<16xf32>
      %jit3A_137 = arith.constant 0.000000e+00 : f32
      %broadcast_in_dim3A_138 = vector.broadcast %jit3A_137 : f32 to vector<16xf32>
      %select_n3A_139 = arith.select %lt3A_97, %convert_element_type3A_136, %broadcast_in_dim3A_138 : vector<16xi1>, vector<16xf32>
      %swap3A_140 = arith.index_cast %mul3A_84 : i32 to index
      %swap3A_141 = tpu.vector_load %arg12[%swap3A_140] {strides = array<i32>} : memref<2080xf32, #tpu.memory_space<vmem>>, vector<16xf32>,
      tpu.vector_store %arg12[%swap3A_140], %select_n3A_139 {strides = array<i32>} : memref<2080xf32, #tpu.memory_space<vmem>>, vector<16xf32>,
      %jit3A_142 = arith.constant 0 : i32
      %broadcast_in_dim3A_143 = vector.broadcast %jit3A_142 : i32 to vector<16xi32>
      %select_n3A_144 = arith.select %lt3A_97, %gather3A_94, %broadcast_in_dim3A_143 : vector<16xi1>, vector<16xi32>
      %swap3A_145 = arith.index_cast %mul3A_84 : i32 to index
      %swap3A_146 = tpu.vector_load %arg10[%swap3A_145] {strides = array<i32>} : memref<2080xi32, #tpu.memory_space<vmem>>, vector<16xi32>,
      tpu.vector_store %arg10[%swap3A_145], %select_n3A_144 {strides = array<i32>} : memref<2080xi32, #tpu.memory_space<vmem>>, vector<16xi32>,
      %while3A_147 = arith.constant 0 : i32
      scf.yield %while3A_147 : i32
    }
    %while3A_41 = arith.constant 1 : i32
    %while3A_42 = scf.for %while3A_81 = %while3A_38 to %while3A_34 step %while3A_41 iter_args(%while3A_82 = %while3A_40) -> (i32)  : i32 {
      %mul3A_83 = arith.constant 16 : i32
      %mul3A_84 = arith.muli %while3A_81, %mul3A_83 : i32
      %add3A_85 = vector.broadcast %mul3A_84 : i32 to vector<16xi32>
      %add3A_86 = arith.addi %add3A_85, %iota3A : vector<16xi32>
      %gather3A = tpu.vector_load_idx %arg9[%add3A_86] : memref<2080xi32, #tpu.memory_space<vmem>>[vector<16xi32>], vector<16xi32>,
      %add3A_87 = arith.constant 1 : i32
      %add3A_88 = arith.addi %mul3A_84, %add3A_87 : i32
      %add3A_89 = vector.broadcast %add3A_88 : i32 to vector<16xi32>
      %add3A_90 = arith.addi %add3A_89, %iota3A : vector<16xi32>
      %gather3A_91 = tpu.vector_load_idx %arg9[%add3A_90] : memref<2080xi32, #tpu.memory_space<vmem>>[vector<16xi32>], vector<16xi32>,
      %add3A_92 = vector.broadcast %mul3A_84 : i32 to vector<16xi32>
      %add3A_93 = arith.addi %add3A_92, %iota3A : vector<16xi32>
      %gather3A_94 = tpu.vector_load_idx %arg10[%add3A_93] : memref<2080xi32, #tpu.memory_space<vmem>>[vector<16xi32>], vector<16xi32>,
      %add3A_95 = vector.broadcast %mul3A_84 : i32 to vector<16xi32>
      %add3A_96 = arith.addi %add3A_95, %iota3A : vector<16xi32>
      %lt3A = vector.broadcast %scan3A_24 : i32 to vector<16xi32>
      %lt3A_97 = arith.cmpi slt, %add3A_96, %lt3A : vector<16xi32>
      %sub3A_98 = arith.constant 1 : i32
      %sub3A_99 = vector.broadcast %sub3A_98 : i32 to vector<16xi32>
      %sub3A_100 = arith.subi %gather3A_91, %sub3A_99 : vector<16xi32>
      %jit3A = arith.constant 0 : i32
      %jit3A_101 = arith.constant 8191 : i32
      %max3A = vector.broadcast %jit3A : i32 to vector<16xi32>
      %max3A_102 = arith.maxsi %max3A, %sub3A_100 : vector<16xi32>
      %min3A = vector.broadcast %jit3A_101 : i32 to vector<16xi32>
      %min3A_103 = arith.minsi %min3A, %max3A_102 : vector<16xi32>
      %sub3A_104 = arith.constant 1 : i32
      %sub3A_105 = vector.broadcast %sub3A_104 : i32 to vector<16xi32>
      %sub3A_106 = arith.subi %gather3A, %sub3A_105 : vector<16xi32>
      %jit3A_107 = arith.constant 0 : i32
      %jit3A_108 = arith.constant 8191 : i32
      %max3A_109 = vector.broadcast %jit3A_107 : i32 to vector<16xi32>
      %max3A_110 = arith.maxsi %max3A_109, %sub3A_106 : vector<16xi32>
      %min3A_111 = vector.broadcast %jit3A_108 : i32 to vector<16xi32>
      %min3A_112 = arith.minsi %min3A_111, %max3A_110 : vector<16xi32>
      %gather3A_113 = tpu.vector_load_idx %arg6[%min3A_103] : memref<8192xf32, #tpu.memory_space<vmem>>[vector<16xi32>], vector<16xf32>,
      %shift_right_arithmetic3A_114 = arith.constant 7 : i32
      %shift_right_arithmetic3A_115 = vector.broadcast %shift_right_arithmetic3A_114 : i32 to vector<16xi32>
      %shift_right_arithmetic3A_116 = arith.shrsi %min3A_103, %shift_right_arithmetic3A_115 : vector<16xi32>
      %gather3A_117 = tpu.vector_load_idx %arg8[%shift_right_arithmetic3A_116] : memref<80xf32, #tpu.memory_space<vmem>>[vector<16xi32>], vector<16xf32>,
      %add3A_118 = arith.addf %gather3A_113, %gather3A_117 : vector<16xf32>
      %gather3A_119 = tpu.vector_load_idx %arg6[%min3A_112] : memref<8192xf32, #tpu.memory_space<vmem>>[vector<16xi32>], vector<16xf32>,
      %shift_right_arithmetic3A_120 = arith.constant 7 : i32
      %shift_right_arithmetic3A_121 = vector.broadcast %shift_right_arithmetic3A_120 : i32 to vector<16xi32>
      %shift_right_arithmetic3A_122 = arith.shrsi %min3A_112, %shift_right_arithmetic3A_121 : vector<16xi32>
      %gather3A_123 = tpu.vector_load_idx %arg8[%shift_right_arithmetic3A_122] : memref<80xf32, #tpu.memory_space<vmem>>[vector<16xi32>], vector<16xf32>,
      %add3A_124 = arith.addf %gather3A_119, %gather3A_123 : vector<16xf32>
      %gt3A = arith.constant 0 : i32
      %gt3A_125 = vector.broadcast %gt3A : i32 to vector<16xi32>
      %gt3A_126 = arith.cmpi sgt, %gather3A, %gt3A_125 : vector<16xi32>
      %jit3A_127 = arith.constant 0.000000e+00 : f32
      %broadcast_in_dim3A_128 = vector.broadcast %jit3A_127 : f32 to vector<16xf32>
      %select_n3A = arith.select %gt3A_126, %add3A_124, %broadcast_in_dim3A_128 : vector<16xi1>, vector<16xf32>
      %sub3A_129 = arith.subf %add3A_118, %select_n3A : vector<16xf32>
      %jit3A_130 = arith.constant 0.000000e+00 : f32
      %broadcast_in_dim3A_131 = vector.broadcast %jit3A_130 : f32 to vector<16xf32>
      %select_n3A_132 = arith.select %lt3A_97, %sub3A_129, %broadcast_in_dim3A_131 : vector<16xi1>, vector<16xf32>
      %swap3A_133 = arith.index_cast %mul3A_84 : i32 to index
      %swap3A_134 = tpu.vector_load %arg11[%swap3A_133] {strides = array<i32>} : memref<2080xf32, #tpu.memory_space<vmem>>, vector<16xf32>,
      tpu.vector_store %arg11[%swap3A_133], %select_n3A_132 {strides = array<i32>} : memref<2080xf32, #tpu.memory_space<vmem>>, vector<16xf32>,
      %sub3A_135 = arith.subi %gather3A_91, %gather3A : vector<16xi32>
      %convert_element_type3A_136 = arith.sitofp %sub3A_135 : vector<16xi32> to vector<16xf32>
      %jit3A_137 = arith.constant 0.000000e+00 : f32
      %broadcast_in_dim3A_138 = vector.broadcast %jit3A_137 : f32 to vector<16xf32>
      %select_n3A_139 = arith.select %lt3A_97, %convert_element_type3A_136, %broadcast_in_dim3A_138 : vector<16xi1>, vector<16xf32>
      %swap3A_140 = arith.index_cast %mul3A_84 : i32 to index
      %swap3A_141 = tpu.vector_load %arg12[%swap3A_140] {strides = array<i32>} : memref<2080xf32, #tpu.memory_space<vmem>>, vector<16xf32>,
      tpu.vector_store %arg12[%swap3A_140], %select_n3A_139 {strides = array<i32>} : memref<2080xf32, #tpu.memory_space<vmem>>, vector<16xf32>,
      %jit3A_142 = arith.constant 0 : i32
      %broadcast_in_dim3A_143 = vector.broadcast %jit3A_142 : i32 to vector<16xi32>
      %select_n3A_144 = arith.select %lt3A_97, %gather3A_94, %broadcast_in_dim3A_143 : vector<16xi1>, vector<16xi32>
      %swap3A_145 = arith.index_cast %mul3A_84 : i32 to index
      %swap3A_146 = tpu.vector_load %arg10[%swap3A_145] {strides = array<i32>} : memref<2080xi32, #tpu.memory_space<vmem>>, vector<16xi32>,
      tpu.vector_store %arg10[%swap3A_145], %select_n3A_144 {strides = array<i32>} : memref<2080xi32, #tpu.memory_space<vmem>>, vector<16xi32>,
      %while3A_147 = arith.constant 0 : i32
      scf.yield %while3A_147 : i32
    }
    %add3A_43 = arith.constant 127 : i32
    %add3A_44 = arith.addi %scan3A_24, %add3A_43 : i32
    %shift_right_arithmetic3A_45 = arith.constant 7 : i32
    %shift_right_arithmetic3A_46 = arith.shrsi %add3A_44, %shift_right_arithmetic3A_45 : i32
    %shift_left3A = arith.constant 3 : i32
    %shift_left3A_47 = arith.shli %shift_right_arithmetic3A_46, %shift_left3A : i32
    %while3A_48 = arith.constant 0 : i32
    %while3A_49 = arith.subi %shift_left3A_47, %shift_right_arithmetic3A_31 : i32
    %while3A_50 = arith.addi %shift_right_arithmetic3A_31, %while3A_49 : i32
    %while3A_51 = arith.constant 1 : i32
    %while3A_52 = arith.divsi %while3A_49, %while3A_51 : i32
    %while3A_53 = arith.muli %while3A_52, %while3A_51 : i32
    %while3A_54 = arith.addi %shift_right_arithmetic3A_31, %while3A_53 : i32
    %while3A_55 = arith.constant 1 : i32
    %while3A_56 = scf.for %while3A_81 = %shift_right_arithmetic3A_31 to %while3A_54 step %while3A_55 iter_args(%while3A_82 = %while3A_48) -> (i32)  : i32 {
      %mul3A_83 = arith.constant 16 : i32
      %mul3A_84 = arith.muli %while3A_81, %mul3A_83 : i32
      %broadcast_in_dim3A_85 = arith.constant 0.000000e+00 : f32
      %broadcast_in_dim3A_86 = vector.broadcast %broadcast_in_dim3A_85 : f32 to vector<16xf32>
      %swap3A_87 = arith.index_cast %mul3A_84 : i32 to index
      %swap3A_88 = tpu.vector_load %arg11[%swap3A_87] {strides = array<i32>} : memref<2080xf32, #tpu.memory_space<vmem>>, vector<16xf32>,
      tpu.vector_store %arg11[%swap3A_87], %broadcast_in_dim3A_86 {strides = array<i32>} : memref<2080xf32, #tpu.memory_space<vmem>>, vector<16xf32>,
      %broadcast_in_dim3A_89 = arith.constant 0.000000e+00 : f32
      %broadcast_in_dim3A_90 = vector.broadcast %broadcast_in_dim3A_89 : f32 to vector<16xf32>
      %swap3A_91 = arith.index_cast %mul3A_84 : i32 to index
      %swap3A_92 = tpu.vector_load %arg12[%swap3A_91] {strides = array<i32>} : memref<2080xf32, #tpu.memory_space<vmem>>, vector<16xf32>,
      tpu.vector_store %arg12[%swap3A_91], %broadcast_in_dim3A_90 {strides = array<i32>} : memref<2080xf32, #tpu.memory_space<vmem>>, vector<16xf32>,
      %broadcast_in_dim3A_93 = arith.constant 0 : i32
      %broadcast_in_dim3A_94 = vector.broadcast %broadcast_in_dim3A_93 : i32 to vector<16xi32>
      %swap3A_95 = arith.index_cast %mul3A_84 : i32 to index
      %swap3A_96 = tpu.vector_load %arg10[%swap3A_95] {strides = array<i32>} : memref<2080xi32, #tpu.memory_space<vmem>>, vector<16xi32>,
      tpu.vector_store %arg10[%swap3A_95], %broadcast_in_dim3A_94 {strides = array<i32>} : memref<2080xi32, #tpu.memory_space<vmem>>, vector<16xi32>,
      %while3A_97 = arith.constant 0 : i32
      scf.yield %while3A_97 : i32
    }
    %while3A_57 = arith.constant 1 : i32
    %while3A_58 = scf.for %while3A_81 = %while3A_54 to %while3A_50 step %while3A_57 iter_args(%while3A_82 = %while3A_56) -> (i32)  : i32 {
      %mul3A_83 = arith.constant 16 : i32
      %mul3A_84 = arith.muli %while3A_81, %mul3A_83 : i32
      %broadcast_in_dim3A_85 = arith.constant 0.000000e+00 : f32
      %broadcast_in_dim3A_86 = vector.broadcast %broadcast_in_dim3A_85 : f32 to vector<16xf32>
      %swap3A_87 = arith.index_cast %mul3A_84 : i32 to index
      %swap3A_88 = tpu.vector_load %arg11[%swap3A_87] {strides = array<i32>} : memref<2080xf32, #tpu.memory_space<vmem>>, vector<16xf32>,
      tpu.vector_store %arg11[%swap3A_87], %broadcast_in_dim3A_86 {strides = array<i32>} : memref<2080xf32, #tpu.memory_space<vmem>>, vector<16xf32>,
      %broadcast_in_dim3A_89 = arith.constant 0.000000e+00 : f32
      %broadcast_in_dim3A_90 = vector.broadcast %broadcast_in_dim3A_89 : f32 to vector<16xf32>
      %swap3A_91 = arith.index_cast %mul3A_84 : i32 to index
      %swap3A_92 = tpu.vector_load %arg12[%swap3A_91] {strides = array<i32>} : memref<2080xf32, #tpu.memory_space<vmem>>, vector<16xf32>,
      tpu.vector_store %arg12[%swap3A_91], %broadcast_in_dim3A_90 {strides = array<i32>} : memref<2080xf32, #tpu.memory_space<vmem>>, vector<16xf32>,
      %broadcast_in_dim3A_93 = arith.constant 0 : i32
      %broadcast_in_dim3A_94 = vector.broadcast %broadcast_in_dim3A_93 : i32 to vector<16xi32>
      %swap3A_95 = arith.index_cast %mul3A_84 : i32 to index
      %swap3A_96 = tpu.vector_load %arg10[%swap3A_95] {strides = array<i32>} : memref<2080xi32, #tpu.memory_space<vmem>>, vector<16xi32>,
      tpu.vector_store %arg10[%swap3A_95], %broadcast_in_dim3A_94 {strides = array<i32>} : memref<2080xi32, #tpu.memory_space<vmem>>, vector<16xi32>,
      %while3A_97 = arith.constant 0 : i32
      scf.yield %while3A_97 : i32
    }
    %barrier3A = arith.constant 0 : index
    tpu.barrier barrier_id(%barrier3A)
    %add3A_59 = arith.constant 127 : i32
    %add3A_60 = arith.addi %scan3A_24, %add3A_59 : i32
    %shift_right_arithmetic3A_61 = arith.constant 7 : i32
    %shift_right_arithmetic3A_62 = arith.shrsi %add3A_60, %shift_right_arithmetic3A_61 : i32
    %while3A_63 = arith.constant 0 : i32
    %while3A_64 = arith.constant 0 : i32
    %while3A_65 = arith.subi %shift_right_arithmetic3A_62, %while3A_63 : i32
    %while3A_66 = arith.addi %while3A_63, %while3A_65 : i32
    %while3A_67 = arith.constant 1 : i32
    %while3A_68 = arith.divsi %while3A_65, %while3A_67 : i32
    %while3A_69 = arith.muli %while3A_68, %while3A_67 : i32
    %while3A_70 = arith.addi %while3A_63, %while3A_69 : i32
    %while3A_71 = arith.constant 1 : i32
    %while3A_72 = scf.for %while3A_81 = %while3A_63 to %while3A_70 step %while3A_71 iter_args(%while3A_82 = %while3A_64) -> (i32)  : i32 {
      %mul3A_83 = arith.constant 128 : i32
      %mul3A_84 = arith.muli %while3A_81, %mul3A_83 : i32
      %mul3A_85 = arith.constant 128 : i32
      %mul3A_86 = arith.muli %while3A_81, %mul3A_85 : i32
      "tpu.region"() ({
        %run_scoped3A = tpu.sem_alloc : memref<!tpu.dma_semaphore, #tpu.memory_space<semaphore_mem>>
        %dma_start3A_92 = tpu.memref_slice %arg11[%mul3A_84] : memref<2080xf32, #tpu.memory_space<vmem>> -> memref<128xf32, #tpu.memory_space<vmem>>
        %dma_start3A_93 = tpu.memref_slice %arg10[%mul3A_86] : memref<2080xi32, #tpu.memory_space<vmem>> -> memref<128xi32, #tpu.memory_space<vmem>>
        %dma_start3A_94 = arith.constant 0 : i32
        %dma_start3A_95 = tpu.memref_slice %arg14[%dma_start3A_94] : memref<2048xf32, #tpu.memory_space<vmem_shared>> -> memref<2048xf32, #tpu.memory_space<vmem_shared>>
        tpu.enqueue_indirect_dma source(%dma_start3A_92 : memref<128xf32, #tpu.memory_space<vmem>>) target(%dma_start3A_95 : memref<2048xf32, #tpu.memory_space<vmem_shared>>) offsets(%dma_start3A_93 : memref<128xi32, #tpu.memory_space<vmem>>) semaphore(%run_scoped3A : memref<!tpu.dma_semaphore, #tpu.memory_space<semaphore_mem>>) {add = true}
        %dma_wait3A_96 = tpu.memref_slice %arg11[%mul3A_84] : memref<2080xf32, #tpu.memory_space<vmem>> -> memref<128xf32, #tpu.memory_space<vmem>>
        %dma_wait3A_97 = tpu.memref_slice %arg10[%mul3A_86] : memref<2080xi32, #tpu.memory_space<vmem>> -> memref<128xi32, #tpu.memory_space<vmem>>
        %dma_wait3A_98 = arith.constant 0 : i32
        %dma_wait3A_99 = tpu.memref_slice %arg14[%dma_wait3A_98] : memref<2048xf32, #tpu.memory_space<vmem_shared>> -> memref<2048xf32, #tpu.memory_space<vmem_shared>>
        tpu.wait_indirect_dma semaphore(%run_scoped3A : memref<!tpu.dma_semaphore, #tpu.memory_space<semaphore_mem>>) src(%dma_wait3A_96 : memref<128xf32, #tpu.memory_space<vmem>>) dst(%dma_wait3A_99 : memref<2048xf32, #tpu.memory_space<vmem_shared>>)
        tpu.yield
      }) : () -> ()
      %mul3A_87 = arith.constant 128 : i32
      %mul3A_88 = arith.muli %while3A_81, %mul3A_87 : i32
      %mul3A_89 = arith.constant 128 : i32
      %mul3A_90 = arith.muli %while3A_81, %mul3A_89 : i32
      "tpu.region"() ({
        %run_scoped3A = tpu.sem_alloc : memref<!tpu.dma_semaphore, #tpu.memory_space<semaphore_mem>>
        %dma_start3A_92 = tpu.memref_slice %arg12[%mul3A_88] : memref<2080xf32, #tpu.memory_space<vmem>> -> memref<128xf32, #tpu.memory_space<vmem>>
        %dma_start3A_93 = tpu.memref_slice %arg10[%mul3A_90] : memref<2080xi32, #tpu.memory_space<vmem>> -> memref<128xi32, #tpu.memory_space<vmem>>
        %dma_start3A_94 = arith.constant 0 : i32
        %dma_start3A_95 = tpu.memref_slice %arg15[%dma_start3A_94] : memref<2048xf32, #tpu.memory_space<vmem_shared>> -> memref<2048xf32, #tpu.memory_space<vmem_shared>>
        tpu.enqueue_indirect_dma source(%dma_start3A_92 : memref<128xf32, #tpu.memory_space<vmem>>) target(%dma_start3A_95 : memref<2048xf32, #tpu.memory_space<vmem_shared>>) offsets(%dma_start3A_93 : memref<128xi32, #tpu.memory_space<vmem>>) semaphore(%run_scoped3A : memref<!tpu.dma_semaphore, #tpu.memory_space<semaphore_mem>>) {add = true}
        %dma_wait3A_96 = tpu.memref_slice %arg12[%mul3A_88] : memref<2080xf32, #tpu.memory_space<vmem>> -> memref<128xf32, #tpu.memory_space<vmem>>
        %dma_wait3A_97 = tpu.memref_slice %arg10[%mul3A_90] : memref<2080xi32, #tpu.memory_space<vmem>> -> memref<128xi32, #tpu.memory_space<vmem>>
        %dma_wait3A_98 = arith.constant 0 : i32
        %dma_wait3A_99 = tpu.memref_slice %arg15[%dma_wait3A_98] : memref<2048xf32, #tpu.memory_space<vmem_shared>> -> memref<2048xf32, #tpu.memory_space<vmem_shared>>
        tpu.wait_indirect_dma semaphore(%run_scoped3A : memref<!tpu.dma_semaphore, #tpu.memory_space<semaphore_mem>>) src(%dma_wait3A_96 : memref<128xf32, #tpu.memory_space<vmem>>) dst(%dma_wait3A_99 : memref<2048xf32, #tpu.memory_space<vmem_shared>>)
        tpu.yield
      }) : () -> ()
      %while3A_91 = arith.constant 0 : i32
      scf.yield %while3A_91 : i32
    }
    %while3A_73 = arith.constant 1 : i32
    %while3A_74 = scf.for %while3A_81 = %while3A_70 to %while3A_66 step %while3A_73 iter_args(%while3A_82 = %while3A_72) -> (i32)  : i32 {
      %mul3A_83 = arith.constant 128 : i32
      %mul3A_84 = arith.muli %while3A_81, %mul3A_83 : i32
      %mul3A_85 = arith.constant 128 : i32
      %mul3A_86 = arith.muli %while3A_81, %mul3A_85 : i32
      "tpu.region"() ({
        %run_scoped3A = tpu.sem_alloc : memref<!tpu.dma_semaphore, #tpu.memory_space<semaphore_mem>>
        %dma_start3A_92 = tpu.memref_slice %arg11[%mul3A_84] : memref<2080xf32, #tpu.memory_space<vmem>> -> memref<128xf32, #tpu.memory_space<vmem>>
        %dma_start3A_93 = tpu.memref_slice %arg10[%mul3A_86] : memref<2080xi32, #tpu.memory_space<vmem>> -> memref<128xi32, #tpu.memory_space<vmem>>
        %dma_start3A_94 = arith.constant 0 : i32
        %dma_start3A_95 = tpu.memref_slice %arg14[%dma_start3A_94] : memref<2048xf32, #tpu.memory_space<vmem_shared>> -> memref<2048xf32, #tpu.memory_space<vmem_shared>>
        tpu.enqueue_indirect_dma source(%dma_start3A_92 : memref<128xf32, #tpu.memory_space<vmem>>) target(%dma_start3A_95 : memref<2048xf32, #tpu.memory_space<vmem_shared>>) offsets(%dma_start3A_93 : memref<128xi32, #tpu.memory_space<vmem>>) semaphore(%run_scoped3A : memref<!tpu.dma_semaphore, #tpu.memory_space<semaphore_mem>>) {add = true}
        %dma_wait3A_96 = tpu.memref_slice %arg11[%mul3A_84] : memref<2080xf32, #tpu.memory_space<vmem>> -> memref<128xf32, #tpu.memory_space<vmem>>
        %dma_wait3A_97 = tpu.memref_slice %arg10[%mul3A_86] : memref<2080xi32, #tpu.memory_space<vmem>> -> memref<128xi32, #tpu.memory_space<vmem>>
        %dma_wait3A_98 = arith.constant 0 : i32
        %dma_wait3A_99 = tpu.memref_slice %arg14[%dma_wait3A_98] : memref<2048xf32, #tpu.memory_space<vmem_shared>> -> memref<2048xf32, #tpu.memory_space<vmem_shared>>
        tpu.wait_indirect_dma semaphore(%run_scoped3A : memref<!tpu.dma_semaphore, #tpu.memory_space<semaphore_mem>>) src(%dma_wait3A_96 : memref<128xf32, #tpu.memory_space<vmem>>) dst(%dma_wait3A_99 : memref<2048xf32, #tpu.memory_space<vmem_shared>>)
        tpu.yield
      }) : () -> ()
      %mul3A_87 = arith.constant 128 : i32
      %mul3A_88 = arith.muli %while3A_81, %mul3A_87 : i32
      %mul3A_89 = arith.constant 128 : i32
      %mul3A_90 = arith.muli %while3A_81, %mul3A_89 : i32
      "tpu.region"() ({
        %run_scoped3A = tpu.sem_alloc : memref<!tpu.dma_semaphore, #tpu.memory_space<semaphore_mem>>
        %dma_start3A_92 = tpu.memref_slice %arg12[%mul3A_88] : memref<2080xf32, #tpu.memory_space<vmem>> -> memref<128xf32, #tpu.memory_space<vmem>>
        %dma_start3A_93 = tpu.memref_slice %arg10[%mul3A_90] : memref<2080xi32, #tpu.memory_space<vmem>> -> memref<128xi32, #tpu.memory_space<vmem>>
        %dma_start3A_94 = arith.constant 0 : i32
        %dma_start3A_95 = tpu.memref_slice %arg15[%dma_start3A_94] : memref<2048xf32, #tpu.memory_space<vmem_shared>> -> memref<2048xf32, #tpu.memory_space<vmem_shared>>
        tpu.enqueue_indirect_dma source(%dma_start3A_92 : memref<128xf32, #tpu.memory_space<vmem>>) target(%dma_start3A_95 : memref<2048xf32, #tpu.memory_space<vmem_shared>>) offsets(%dma_start3A_93 : memref<128xi32, #tpu.memory_space<vmem>>) semaphore(%run_scoped3A : memref<!tpu.dma_semaphore, #tpu.memory_space<semaphore_mem>>) {add = true}
        %dma_wait3A_96 = tpu.memref_slice %arg12[%mul3A_88] : memref<2080xf32, #tpu.memory_space<vmem>> -> memref<128xf32, #tpu.memory_space<vmem>>
        %dma_wait3A_97 = tpu.memref_slice %arg10[%mul3A_90] : memref<2080xi32, #tpu.memory_space<vmem>> -> memref<128xi32, #tpu.memory_space<vmem>>
        %dma_wait3A_98 = arith.constant 0 : i32
        %dma_wait3A_99 = tpu.memref_slice %arg15[%dma_wait3A_98] : memref<2048xf32, #tpu.memory_space<vmem_shared>> -> memref<2048xf32, #tpu.memory_space<vmem_shared>>
        tpu.wait_indirect_dma semaphore(%run_scoped3A : memref<!tpu.dma_semaphore, #tpu.memory_space<semaphore_mem>>) src(%dma_wait3A_96 : memref<128xf32, #tpu.memory_space<vmem>>) dst(%dma_wait3A_99 : memref<2048xf32, #tpu.memory_space<vmem_shared>>)
        tpu.yield
      }) : () -> ()
      %while3A_91 = arith.constant 0 : i32
      scf.yield %while3A_91 : i32
    }
    %barrier3A_75 = arith.constant 0 : index
    tpu.barrier barrier_id(%barrier3A_75)
    %eq3A_76 = arith.constant 0 : i32
    %eq3A_77 = arith.cmpi eq, %arg1, %eq3A_76 : i32
    %convert_element_type3A_78 = arith.extui %eq3A_77 : i1 to i32
    %cond3A_79 = arith.constant 0 : i32
    %cond3A_80 = arith.cmpi ne, %convert_element_type3A_78, %cond3A_79 : i32
    scf.if %cond3A_80 {
      "tpu.region"() ({
        %run_scoped3A = tpu.sem_alloc : memref<!tpu.dma_semaphore, #tpu.memory_space<semaphore_mem>>
        %dma_start3A_81 = arith.constant 0 : i32
        %dma_start3A_82 = tpu.memref_slice %arg4[%arg0, %dma_start3A_81] : memref<2x2048xf32, #tpu.memory_space<hbm>> -> memref<1x2048xf32, #tpu.memory_space<hbm>>
        %dma_start3A_83 = tpu.memref_squeeze %dma_start3A_82 : memref<1x2048xf32, #tpu.memory_space<hbm>> -> memref<2048xf32, #tpu.memory_space<hbm>>
        tpu.enqueue_dma source(%arg14 : memref<2048xf32, #tpu.memory_space<vmem_shared>>) target(%dma_start3A_83 : memref<2048xf32, #tpu.memory_space<hbm>>) target_semaphore(%run_scoped3A : memref<!tpu.dma_semaphore, #tpu.memory_space<semaphore_mem>>)
        %dma_wait3A_84 = arith.constant 0 : i32
        %dma_wait3A_85 = tpu.memref_slice %arg4[%arg0, %dma_wait3A_84] : memref<2x2048xf32, #tpu.memory_space<hbm>> -> memref<1x2048xf32, #tpu.memory_space<hbm>>
        %dma_wait3A_86 = tpu.memref_squeeze %dma_wait3A_85 : memref<1x2048xf32, #tpu.memory_space<hbm>> -> memref<2048xf32, #tpu.memory_space<hbm>>
        tpu.wait_dma2 semaphore(%run_scoped3A : memref<!tpu.dma_semaphore, #tpu.memory_space<semaphore_mem>>) src(%arg14 : memref<2048xf32, #tpu.memory_space<vmem_shared>>) dst(%dma_wait3A_86 : memref<2048xf32, #tpu.memory_space<hbm>>)
        tpu.yield
      }) : () -> ()
      "tpu.region"() ({
        %run_scoped3A = tpu.sem_alloc : memref<!tpu.dma_semaphore, #tpu.memory_space<semaphore_mem>>
        %dma_start3A_81 = arith.constant 0 : i32
        %dma_start3A_82 = tpu.memref_slice %arg5[%arg0, %dma_start3A_81] : memref<2x2048xf32, #tpu.memory_space<hbm>> -> memref<1x2048xf32, #tpu.memory_space<hbm>>
        %dma_start3A_83 = tpu.memref_squeeze %dma_start3A_82 : memref<1x2048xf32, #tpu.memory_space<hbm>> -> memref<2048xf32, #tpu.memory_space<hbm>>
        tpu.enqueue_dma source(%arg15 : memref<2048xf32, #tpu.memory_space<vmem_shared>>) target(%dma_start3A_83 : memref<2048xf32, #tpu.memory_space<hbm>>) target_semaphore(%run_scoped3A : memref<!tpu.dma_semaphore, #tpu.memory_space<semaphore_mem>>)
        %dma_wait3A_84 = arith.constant 0 : i32
        %dma_wait3A_85 = tpu.memref_slice %arg5[%arg0, %dma_wait3A_84] : memref<2x2048xf32, #tpu.memory_space<hbm>> -> memref<1x2048xf32, #tpu.memory_space<hbm>>
        %dma_wait3A_86 = tpu.memref_squeeze %dma_wait3A_85 : memref<1x2048xf32, #tpu.memory_space<hbm>> -> memref<2048xf32, #tpu.memory_space<hbm>>
        tpu.wait_dma2 semaphore(%run_scoped3A : memref<!tpu.dma_semaphore, #tpu.memory_space<semaphore_mem>>) src(%arg15 : memref<2048xf32, #tpu.memory_space<vmem_shared>>) dst(%dma_wait3A_86 : memref<2048xf32, #tpu.memory_space<hbm>>)
        tpu.yield
      }) : () -> ()
    } else {
    }
    return
  }
}

module attributes {stable_mosaic.version = 14 : i64} {
  func.func @_combine_body(%arg0: memref<2x2048xf32, #tpu.memory_space<vmem>>, %arg1: memref<2x2048xf32, #tpu.memory_space<vmem>>, %arg2: memref<2048x6xf32, #tpu.memory_space<vmem>>, %arg3: memref<2048x6xf32, #tpu.memory_space<vmem>>, %arg4: memref<1x1xf32, #tpu.memory_space<smem>>) attributes {dimension_semantics = [], scalar_prefetch = 0 : i64, scratch_operands = 0 : i64, tpu.core_type = #tpu.core_type<tc>} {
    %get3A = arith.constant 0 : index
    %get3A_0 = arith.constant 0 : index
    %get3A_1 = vector.load %arg0[%get3A, %get3A_0] : memref<2x2048xf32, #tpu.memory_space<vmem>>, vector<1x2048xf32>
    %get3A_2 = arith.constant 1 : index
    %get3A_3 = arith.constant 0 : index
    %get3A_4 = vector.load %arg0[%get3A_2, %get3A_3] : memref<2x2048xf32, #tpu.memory_space<vmem>>, vector<1x2048xf32>
    %add3A = arith.addf %get3A_1, %get3A_4 : vector<1x2048xf32>
    %get3A_5 = arith.constant 0 : index
    %get3A_6 = arith.constant 0 : index
    %get3A_7 = vector.load %arg1[%get3A_5, %get3A_6] : memref<2x2048xf32, #tpu.memory_space<vmem>>, vector<1x2048xf32>
    %get3A_8 = arith.constant 1 : index
    %get3A_9 = arith.constant 0 : index
    %get3A_10 = vector.load %arg1[%get3A_8, %get3A_9] : memref<2x2048xf32, #tpu.memory_space<vmem>>, vector<1x2048xf32>
    %add3A_11 = arith.addf %get3A_7, %get3A_10 : vector<1x2048xf32>
    %max3A = arith.constant 1.000000e+00 : f32
    %max3A_12 = vector.broadcast %max3A : f32 to vector<1x2048xf32>
    %max3A_13 = arith.maximumf %add3A_11, %max3A_12 : vector<1x2048xf32>
    %div3A = arith.divf %add3A, %max3A_13 : vector<1x2048xf32>
    %reduce_sum3A = vector.shape_cast %div3A : vector<1x2048xf32> to vector<1x1x2048xf32>
    %reduce_sum3A_14 = arith.constant dense<0.000000e+00> : vector<1xf32>
    %reduce_sum3A_15 = vector.multi_reduction <add>, %reduce_sum3A, %reduce_sum3A_14 [1, 2] : vector<1x1x2048xf32> to vector<1xf32>
    %reduce_sum3A_16 = vector.shape_cast %reduce_sum3A_15 : vector<1xf32> to vector<1x1x1xf32>
    %reduce_sum3A_17 = vector.extract %reduce_sum3A_16[0, 0, 0] : f32 from vector<1x1x1xf32>
    %get3A_18 = arith.constant 0 : index
    %get3A_19 = arith.constant 0 : index
    %get3A_20 = vector.load %arg2[%get3A_18, %get3A_19] : memref<2048x6xf32, #tpu.memory_space<vmem>>, vector<2048x6xf32>
    %get3A_21 = arith.constant 0 : index
    %get3A_22 = arith.constant 0 : index
    %get3A_23 = vector.load %arg3[%get3A_21, %get3A_22] : memref<2048x6xf32, #tpu.memory_space<vmem>>, vector<2048x6xf32>
    %sub3A = arith.subf %get3A_20, %get3A_23 : vector<2048x6xf32>
    %mul3A = arith.mulf %sub3A, %sub3A : vector<2048x6xf32>
    %reduce_sum3A_24 = vector.shape_cast %mul3A : vector<2048x6xf32> to vector<1x2048x6xf32>
    %reduce_sum3A_25 = arith.constant dense<0.000000e+00> : vector<1xf32>
    %reduce_sum3A_26 = vector.multi_reduction <add>, %reduce_sum3A_24, %reduce_sum3A_25 [1, 2] : vector<1x2048x6xf32> to vector<1xf32>
    %reduce_sum3A_27 = vector.shape_cast %reduce_sum3A_26 : vector<1xf32> to vector<1x1x1xf32>
    %reduce_sum3A_28 = vector.extract %reduce_sum3A_27[0, 0, 0] : f32 from vector<1x1x1xf32>
    %div3A_29 = arith.constant 1.228800e+04 : f32
    %div3A_30 = arith.divf %reduce_sum3A_28, %div3A_29 : f32
    %div3A_31 = arith.constant 2.048000e+03 : f32
    %div3A_32 = arith.divf %reduce_sum3A_17, %div3A_31 : f32
    %add3A_33 = arith.addf %div3A_32, %div3A_30 : f32
    %swap3A = arith.constant 0 : index
    %swap3A_34 = arith.constant 0 : index
    %swap3A_35 = memref.load %arg4[%swap3A, %swap3A_34] : memref<1x1xf32, #tpu.memory_space<smem>>
    memref.store %add3A_33, %arg4[%swap3A, %swap3A_34] : memref<1x1xf32, #tpu.memory_space<smem>>
    return
  }
}

module attributes {stable_mosaic.version = 14 : i64} {
  func.func @_rowsum_body(%arg0: i32, %arg1: memref<100x8192xf32, #tpu.memory_space<vmem>>, %arg2: memref<100x8192xf32, #tpu.memory_space<vmem>>, %arg3: memref<3x8192xf32, #tpu.memory_space<vmem>>, %arg4: memref<3x8192xf32, #tpu.memory_space<vmem>>, %arg5: memref<1x8192xf32, #tpu.memory_space<vmem>>, %arg6: memref<64x128xf32, #tpu.memory_space<vmem>>) attributes {dimension_semantics = [#tpu.dimension_semantics<arbitrary>], iteration_bounds = array<i64: 32>, scalar_prefetch = 0 : i64, scratch_operands = 0 : i64, tpu.core_type = #tpu.core_type<tc>, window_params = [{transform_indices = @transform_0, window_bounds = array<i64: 100, 8192>}, {transform_indices = @transform_1, window_bounds = array<i64: 100, 8192>}, {transform_indices = @transform_2, window_bounds = array<i64: 3, 8192>}, {transform_indices = @transform_3, window_bounds = array<i64: 3, 8192>}, {transform_indices = @transform_4, window_bounds = array<i64: 1, 8192>}, {transform_indices = @transform_5, window_bounds = array<i64: 64, 128>}]} {
    %get3A = arith.constant 0 : index
    %get3A_0 = arith.constant 0 : index
    %get3A_1 = vector.load %arg2[%get3A, %get3A_0] : memref<100x8192xf32, #tpu.memory_space<vmem>>, vector<100x8192xf32>
    %get3A_2 = arith.constant 0 : index
    %get3A_3 = arith.constant 0 : index
    %get3A_4 = vector.load %arg1[%get3A_2, %get3A_3] : memref<100x8192xf32, #tpu.memory_space<vmem>>, vector<100x8192xf32>
    %sub3A = arith.subf %get3A_1, %get3A_4 : vector<100x8192xf32>
    %mul3A = arith.mulf %sub3A, %sub3A : vector<100x8192xf32>
    %reduce_sum3A = arith.constant dense<0.000000e+00> : vector<8192xf32>
    %reduce_sum3A_5 = vector.multi_reduction <add>, %mul3A, %reduce_sum3A [0] : vector<100x8192xf32> to vector<8192xf32>
    %get3A_6 = arith.constant 0 : index
    %get3A_7 = arith.constant 0 : index
    %get3A_8 = vector.load %arg4[%get3A_6, %get3A_7] : memref<3x8192xf32, #tpu.memory_space<vmem>>, vector<3x8192xf32>
    %get3A_9 = arith.constant 0 : index
    %get3A_10 = arith.constant 0 : index
    %get3A_11 = vector.load %arg3[%get3A_9, %get3A_10] : memref<3x8192xf32, #tpu.memory_space<vmem>>, vector<3x8192xf32>
    %sub3A_12 = arith.subf %get3A_8, %get3A_11 : vector<3x8192xf32>
    %mul3A_13 = arith.mulf %sub3A_12, %sub3A_12 : vector<3x8192xf32>
    %reduce_sum3A_14 = arith.constant dense<0.000000e+00> : vector<8192xf32>
    %reduce_sum3A_15 = vector.multi_reduction <add>, %mul3A_13, %reduce_sum3A_14 [0] : vector<3x8192xf32> to vector<8192xf32>
    %get3A_16 = arith.constant 0 : index
    %get3A_17 = arith.constant 0 : index
    %get3A_18 = vector.load %arg5[%get3A_16, %get3A_17] : memref<1x8192xf32, #tpu.memory_space<vmem>>, vector<1x8192xf32>
    %get3A_19 = vector.shape_cast %get3A_18 : vector<1x8192xf32> to vector<8192xf32>
    %mul3A_20 = arith.mulf %reduce_sum3A_15, %get3A_19 : vector<8192xf32>
    %add3A = arith.addf %reduce_sum3A_5, %mul3A_20 : vector<8192xf32>
    %reshape3A = vector.shape_cast %add3A : vector<8192xf32> to vector<64x128xf32>
    %iota3A = tpu.iota {dimensions = array<i32: 0>} : vector<128x128xi32>
    %iota3A_21 = tpu.iota {dimensions = array<i32: 1>} : vector<128x128xi32>
    %le3A = arith.cmpi sle, %iota3A, %iota3A_21 : vector<128x128xi32>
    %convert_element_type3A = arith.extui %le3A : vector<128x128xi1> to vector<128x128xi32>
    %convert_element_type3A_22 = arith.sitofp %convert_element_type3A : vector<128x128xi32> to vector<128x128xf32>
    %dot_general3A = arith.constant dense<0.000000e+00> : vector<64x128xf32>
    %dot_general3A_23 = tpu.matmul %reshape3A, %convert_element_type3A_22, %dot_general3A {dimension_numbers = #tpu.dot_dimension_numbers<[1], [0], [0], [1], [0, 0, 1, 1], [], []>, precision = #tpu.contract_precision<fp32>, transpose_lhs_hint = false} : vector<64x128xf32>, vector<128x128xf32>, vector<64x128xf32> -> vector<64x128xf32>
    %swap3A = arith.constant 0 : index
    %swap3A_24 = arith.constant 0 : index
    %swap3A_25 = vector.load %arg6[%swap3A, %swap3A_24] : memref<64x128xf32, #tpu.memory_space<vmem>>, vector<64x128xf32>
    tpu.vector_store %arg6[%swap3A, %swap3A_24], %dot_general3A_23 {strides = array<i32>} : memref<64x128xf32, #tpu.memory_space<vmem>>, vector<64x128xf32>,
    return
  }
  func.func @transform_0(%arg0: i32) -> (i32, i32) {
    %c0_i32 = arith.constant 0 : i32
    %c0_i32_0 = arith.constant 0 : i32
    return %c0_i32, %arg0 : i32, i32
  }
  func.func @transform_1(%arg0: i32) -> (i32, i32) {
    %c0_i32 = arith.constant 0 : i32
    %c0_i32_0 = arith.constant 0 : i32
    return %c0_i32, %arg0 : i32, i32
  }
  func.func @transform_2(%arg0: i32) -> (i32, i32) {
    %c0_i32 = arith.constant 0 : i32
    %c0_i32_0 = arith.constant 0 : i32
    return %c0_i32, %arg0 : i32, i32
  }
  func.func @transform_3(%arg0: i32) -> (i32, i32) {
    %c0_i32 = arith.constant 0 : i32
    %c0_i32_0 = arith.constant 0 : i32
    return %c0_i32, %arg0 : i32, i32
  }
  func.func @transform_4(%arg0: i32) -> (i32, i32) {
    %c0_i32 = arith.constant 0 : i32
    %c0_i32_0 = arith.constant 0 : i32
    return %c0_i32, %arg0 : i32, i32
  }
  func.func @transform_5(%arg0: i32) -> (i32, i32) {
    %c0_i32 = arith.constant 0 : i32
    %c0_i32_0 = arith.constant 0 : i32
    return %arg0, %c0_i32 : i32, i32
  }
}

</mosaic_0001>

<sc_bundles>
// kernel: kernel.5.cloned.1.call-start
scs
__scs_entry_jumppad:
0x0: {  	(pc) =	sbr.rel $0x88, $3  }
0x1: {  	(tag) =	ssettag $0x0;
	lr =	simm.s32 $0x1  }
0x2: {  	[smem:$0x3F99] =	sst lr;
	_ =	strace $0xD0000000  }
0x3: {  	_ = 	snop  }
0x4: {  	_ = 	snop  }
0x5: {  	_ = 	snop  }
0x6: {  	_ = 	snop  }
0x7: {  	_ = 	snop  }
__scs_overlays_trampoline_lowered:
0x8: {  	[smem:$0x3FA8] =	sst s0  }
0x9: {  	[smem:$0x3FA9] =	sst s1  }
0xa: {  	[smem:$0x3FAA] =	sst s2  }
0xb: {  	[smem:$0x3FAB] =	sst s3  }
0xc: {  	[smem:$0x3FAC] =	sst s4  }
0xd: {  	[smem:$0x3FAD] =	sst s5  }
0xe: {  	[smem:$0x3FAE] =	sst s6  }
0xf: {  	[smem:$0x3FAF] =	sst s7  }
0x10: {  	[smem:$0x3FB0] =	sst s8  }
0x11: {  	[smem:$0x3FB1] =	sst s9;
	s0 =	simm.s32 @!p0 $0x0  }
0x12: {  	s1 =	sld [smem:$0x3F97];
	s0 =	simm.s32 @p0 $0x1  }
0x13: {  	[smem:$0x3FB2] =	sst s0;
	s0 =	simm.s32 @!p1 $0x0  }
0x14: {  	s2 =	sld [smem:$0x3F96];
	s0 =	simm.s32 @p1 $0x1  }
0x15: {  	[smem:$0x3FB3] =	sst s0;
	s0 =	simm.s32 @!p2 $0x0  }
0x16: {  	s3 =	sld [smem:$0x3FDB];
	s0 =	simm.s32 @p2 $0x1  }
0x17: {  	s4 =	simm.s32 $0x1BF5;
	[smem:$0x3FB5] =	sst s0  }
0x18: {  	s0 =	sld [smem:$0x3F98];
	_ =	swait.ge [sflag:s4], $0x0  }
0x19: {  	s7 =	sld [smem:$0x3F99]  }
0x1a: {  	s8 =	sadd.s32 $0xFFFFE003, lr  }
0x1b: {  	s9 =	sadd.s32 $0xFFFFFEF7, lr;
	s5 =	simm.s32 $0xFFFFFFFF;
	p2 =	slt.u32 s8, $0xFFFFF086  }
0x1c: {  	p1 =	slt.u32 s9, $0xF7A;
	s5 =	simm.s32 @!p2 $0x0  }
0x1d: {  	s5 =	simm.s32 @p1 $0x1;
	p0 =	seq.s32 s7, s2  }
0x1e: {  	s7 =	smul.u32 @!p0 $0xF7A, s2;
	p2 =	seq.s32 @!p0 s5, $0x0  }
0x1f: {  	s9 =	smul.u32 $0xF7A, s1;
	s8 =	simm.s32 @!p0 $0x1BF5;
	p2 =	por !p2, p0  }
0x20: {  	[sflag:s8] =	ssyncset.s32 @!p0 $0xFFFFF086;
	s6 =	sadd.s32 @!p0 s3, s7;
	s7 =	simm.s32 @!p0 $0x108  }
0x21: {  	s3 =	sadd.s32 s3, s9;
	s6 =	sadd.s32 @!p0 $0x88, s6;
	s7 =	simm.s32 @p2 $0x1082  }
0x22: {  	[simem:s7], [sflag:s8] =	dma.local @!p0 [hbm:s6], $0xF7A  }
0x23: {  	s9 =	sor.u32 $0xD0000000, s2;
	s6 =	simm.s32 $0x108;
	_ =	swait.ge @!p0 [sflag:s8], $0x0  }
0x24: {  	s3 =	sadd.s32 $0x88, s3;
	s6 =	simm.s32 @!p1 $0x1082;
	[sflag:s4] =	ssyncset.s32 $0xFFFFF086  }
0x25: {  	[simem:s6], [sflag:s4] =	dma.local [hbm:s3], $0xF7A  }
0x26: {  	[smem:$0x3F99] =	sst s1;
	(tag) =	ssettag s2;
	_ =	strace s9  }
0x27: {  	s1 =	sld [smem:$0x3FA9]  }
0x28: {  	s2 =	sld [smem:$0x3FAA]  }
0x29: {  	s4 =	sld [smem:$0x3FAC]  }
0x2a: {  	p0 =	seq.s32 s5, $0x0;
	s5 =	sld [smem:$0x3FAD]  }
0x2b: {  	s6 =	sld [smem:$0x3FAE]  }
0x2c: {  	s7 =	sld [smem:$0x3FAF]  }
0x2d: {  	s3 =	simm.s32 $0x108;
	s8 =	sld [smem:$0x3FB0]  }
0x2e: {  	s3 =	simm.s32 @!p0 $0x1082;
	s9 =	sld [smem:$0x3FB1]  }
0x2f: {  	lr =	sadd.s32 s0, s3;
	s0 =	sld [smem:$0x3FA8]  }
0x30: {  	s3 =	sld [smem:$0x3FAB]  }
0x31: {  	[smem:$0x3FB4] =	sst s10  }
0x32: {  	s10 =	sld [smem:$0x3FB2];
	_ =	sdelay $0x3  }
0x33: {  	p0 =	seq.s32 s10, $0x1;
	s10 =	sld [smem:$0x3FB4];
	_ =	sdelay $0x3  }
0x34: {  	[smem:$0x3FB4] =	sst s10  }
0x35: {  	s10 =	sld [smem:$0x3FB3];
	_ =	sdelay $0x3  }
0x36: {  	p1 =	seq.s32 s10, $0x1;
	s10 =	sld [smem:$0x3FB4];
	_ =	sdelay $0x3  }
0x37: {  	[smem:$0x3FB4] =	sst s10  }
0x38: {  	s10 =	sld [smem:$0x3FB5]  }
0x39: {  	_ = 	snop;
	(pc) =	sbr.ind lr, $3  }
0x3a: {  	_ = 	snop  }
0x3b: {  	_ = 	snop  }
0x3c: {  	p2 =	seq.s32 s10, $0x1;
	s10 =	sld [smem:$0x3FB4]  }
0x3d: {  	_ =	shalt  }
0x3e: {  	_ =	shalt  }
0x3f: {  	_ =	shalt  }
0x40: {  	_ =	shalt  }
0x41: {  	_ =	shalt  }
0x42: {  	_ =	shalt  }
0x43: {  	_ =	shalt  }
0x44: {  	_ =	shalt  }
0x45: {  	_ =	shalt  }
0x46: {  	_ =	shalt  }
0x47: {  	_ =	shalt  }
0x48: {  	_ =	shalt  }
0x49: {  	_ =	shalt  }
0x4a: {  	_ =	shalt  }
0x4b: {  	_ =	shalt  }
0x4c: {  	_ =	shalt  }
0x4d: {  	_ =	shalt  }
0x4e: {  	_ =	shalt  }
0x4f: {  	_ =	shalt  }
0x50: {  	_ =	shalt  }
0x51: {  	_ =	shalt  }
0x52: {  	_ =	shalt  }
0x53: {  	_ =	shalt  }
0x54: {  	_ =	shalt  }
0x55: {  	_ =	shalt  }
0x56: {  	_ =	shalt  }
0x57: {  	_ =	shalt  }
0x58: {  	_ =	shalt  }
0x59: {  	_ =	shalt  }
0x5a: {  	_ =	shalt  }
0x5b: {  	_ =	shalt  }
0x5c: {  	_ =	shalt  }
0x5d: {  	_ =	shalt  }
0x5e: {  	_ =	shalt  }
0x5f: {  	_ =	shalt  }
0x60: {  	_ =	shalt  }
0x61: {  	_ =	shalt  }
0x62: {  	_ =	shalt  }
0x63: {  	_ =	shalt  }
0x64: {  	_ =	shalt  }
0x65: {  	_ =	shalt  }
0x66: {  	_ =	shalt  }
0x67: {  	_ =	shalt  }
0x68: {  	_ =	shalt  }
0x69: {  	_ =	shalt  }
0x6a: {  	_ =	shalt  }
0x6b: {  	_ =	shalt  }
0x6c: {  	_ =	shalt  }
0x6d: {  	_ =	shalt  }
0x6e: {  	_ =	shalt  }
0x6f: {  	_ =	shalt  }
0x70: {  	_ =	shalt  }
0x71: {  	_ =	shalt  }
0x72: {  	_ =	shalt  }
0x73: {  	_ =	shalt  }
0x74: {  	_ =	shalt  }
0x75: {  	_ =	shalt  }
0x76: {  	_ =	shalt  }
0x77: {  	_ =	shalt  }
0x78: {  	_ =	shalt  }
0x79: {  	_ =	shalt  }
0x7a: {  	_ =	shalt  }
0x7b: {  	_ =	shalt  }
0x7c: {  	_ =	shalt  }
0x7d: {  	_ =	shalt  }
0x7e: {  	_ =	shalt  }
0x7f: {  	_ =	shalt  }
0x80: {  	_ =	shalt  }
0x81: {  	_ =	shalt  }
0x82: {  	_ =	shalt  }
0x83: {  	_ =	shalt  }
0x84: {  	_ =	shalt  }
0x85: {  	_ =	shalt  }
0x86: {  	_ =	shalt  }
0x87: {  	_ =	shalt  }
.Lfunc_end0:
.L_simem_size_0:
called_computation_lowered:
.L_overlay_start_0:
0x88: {  	s2 =	sld [smem:$0x3FD9]  }
0x89: {  	s3 =	sld [smem:$0x3FFE];
	_ =	sdelay $0x1  }
0x8a: {  	s1 =	srdreg.scid  }
0x8b: {  	s0 =	sand.u32 $0x1, s1  }
0x8c: {  	s17 =	sshll.u32 s0, $0xA;
	s2 =	sadd.s32 s3, s2  }
0x8d: {  	s2 =	sadd.s32 s2, s17  }
0x8e: {  	[smem:$0x3FC0] =	sst s2  }
0x8f: {  	_ = 	snop  }
0x90: {  	s2 =	sld [smem:$0x3FC2];
	(tm) =	ssettm $0x1  }
0x91: {  	s18 =	sld [smem:$0x3FFB];
	_ =	sdelay $0x3  }
0x92: {  	_ =	strace s18  }
0x93: {  	s3 =	sld [smem:$0x3FFC];
	_ =	sdelay $0x3  }
0x94: {  	_ =	strace s3  }
0x95: {  	s3 =	sld [smem:$0x3FFD];
	_ =	sdelay $0x3  }
0x96: {  	_ =	strace s3  }
0x97: {  	_ =	strace $0x8FFFFFFF  }
0x98: {  	s19 =	sld [smem:$0x3FDB];
	_ =	sdelay $0x1  }
0x99: {  	s4 =	simm.s32 $_scs_section_size  }
0x9a: {  	s5 =	simm.s32 $_size__tile_overlayer_lowered;
	s6 =	simm.s32 $_tile_overlayer_lowered  }
0x9b: {  	s22 =	simm.s32 $0x1BFF;
	s21 =	sshll.u32 s6, $0x1;
	s3 =	sadd.s32 s4, s19  }
0x9c: {  	s7 =	simm.s32 $0x0;
	s20 =	sshll.u32 s5, $0x1;
	s5 =	sadd.s32 s21, s3  }
0x9d: {  	[timem:s7], [sflag:s22] =	dma.local [hbm:s5], s20  }
0x9e: {  	_ =	swait.ge [sflag:s22], s20  }
0x9f: {  	s4 =	ssub.s32 $0x0, s20;
	[sflag:s22] =	ssyncset.done $0x0  }
0xa0: {  	[sflag:s22] =	ssyncadd.s32 s4;
	_ =	sdelay $0x1  }
0xa1: {  	s23 =	simm.s32 $0x1B8B  }
0xa2: {  	_ =	swait.ge [sflag:s23], $0x1  }
0xa3: {  	[sflag:s23] =	ssyncset.done $0x0  }
0xa4: {  	s25 =	simm.s32 $0x1B8E;
	s24 =	sld [smem:$0x3FFE];
	[sflag:s23] =	ssyncadd.s32 $0xFFFFFFFF  }
0xa5: {  	s26 =	simm.s32 $execute0_lowered;
	[smem:$0x3FD2] =	sst s25  }
0xa6: {  	s5 =	sshll.u32 s26, $0x1;
	_ =	strace $0x80000046;
	[dreg:$0x1] =	wrdreg $0xFFFFFFFF  }
0xa7: {  	s28 =	simm.s32 $_size_execute0_lowered;
	s3 =	sadd.s32 s3, s5;
	[dreg:$0x0] =	wrdreg $0x0  }
0xa8: {  	s5 =	sshll.u32 s28, $0x1;
	[dreg:$0x2] =	wrdreg s3  }
0xa9: {  	[dreg:$0x3] =	wrdreg s5  }
0xaa: {  	[dreg:$0x4] =	wrdreg $0xC0  }
0xab: {  	_ =	task [dreg:s7], $0x5FFFF  }
0xac: {  	[dreg:$0x1] =	wrdreg $0xFFFFFFFF  }
0xad: {  	[dreg:$0x0] =	wrdreg $0x60  }
0xae: {  	[dreg:$0x2] =	wrdreg s24  }
0xaf: {  	[dreg:$0x3] =	wrdreg s2  }
0xb0: {  	[dreg:$0x4] =	wrdreg $0x6A800  }
0xb1: {  	[dreg:$0x5] =	wrdreg $0x6B000  }
0xb2: {  	[dreg:$0x6] =	wrdreg $0x9  }
0xb3: {  	_ =	task.clear_ibuf [dreg:s7], $0x7FFFF;
	_ =	strace $0x90000046  }
0xb4: {  	s29 =	simm.s32 $0x9;
	_ =	strace $0x80000048  }
0xb5: {  	_ =	swait.ge [sflag:s29], $0x1  }
0xb6: {  	[sflag:s29] =	ssyncadd.s32 $0xFFFFFFFF  }
0xb7: {  	_ =	strace $0x90000048  }
0xb8: {  	_ =	sfence  }
0xb9: {  	s30 =	sld [smem:$0x0];
	_ =	sdelay $0x2  }
0xba: {  	s31 =	sshll.u32 s1, $0xD;
	s1 =	sshrl.u32 s1, $0x2  }
0xbb: {  	s3 =	sand.u32 $0x4000, s31;
	s1 =	sadd.s32 s1, s30  }
0xbc: {  	s0 =	sor.u32 s3, s0;
	s1 =	sshll.u32 s1, $0x11  }
0xbd: {  	s0 =	sor.u32 s1, s0  }
0xbe: {  	s0 =	sadd.s32 $0x8F2B, s0  }
0xbf: {  	[sflag:s0] =	ssyncadd.remote.s32 $0x1  }
0xc0: {  	_ =	sfence.sel $0xFFFF  }
0xc1: {  	[dreg:$0x0] =	wrdreg $0xFFFFFFFF;
	(pc) =	sbr.abs _section_cstart, $3  }
0xc2: {  	[dreg:$0x1] =	wrdreg $0xFFFFFFFF  }
0xc3: {  	_ =	task.clear_ibuf [dreg:s7], $0x2FFFF;
	_ =	strace $0x9FFFFFFF  }
0xc4: {  	(tm) =	ssettm $0x7FFFFFFF  }
0xc5: {  	_ =	shalt  }
tec
execute0_lowered:
.L_overlay_start_1:
0x0: {  	(tag) =	ssettag $0x1  }
0x1: {  	s4 =	rddreg [dreg:$0x0]  }
0x2: {  	s5 =	rddreg [dreg:$0x1]  }
0x3: {  	s1 =	rddreg [dreg:$0x2]  }
0x4: {  	s2 =	rddreg [dreg:$0x3]  }
0x5: {  	s0 =	rddreg [dreg:$0x4];
	s3 =	simm.s32 $0x0  }
0x6: {  	s6 =	srdreg.scid;
	s9 =	stileid.u32;
	s13 =	simm.s32 $0x4080  }
0x7: {  	s14 =	simm.s32 $0x4900;
	s15 =	simm.s32 $0x4000;
	s16 =	simm.s32 $0x80  }
0x8: {  	s17 =	simm.s32 $0x0;
	[smem:$0x7FF] =	sst s3;
	s6 =	sand.u32 $0x1, s6  }
0x9: {  	v0 =	vimm.s32 $0xEDCBA987;
	s7 =	sshll.u32 s9, $0xB;
	p0 =	sne.s32 s9, $0x0;
	s9 =	simm.s32 $0x2000  }
0xa: {  	v1 =	vimm.s32 $0x65432100;
	v0 =	vunpack.c.l.s4.s8 v0;
	_ =	strace $0x80000047;
	s8 =	sshll.u32 s6, $0xA;
	s10 =	ssub.s32 $0x2, s6  }
.Ltmp0:
0xb: {  	v1 =	vunpack.c.l.s4.s8 v1;
	s6 =	sshll.u32 s6, $0x4;
	s7 =	sor.u32 s8, s7;
	(pc) =	sbr.rel .LBB2_1-.Ltmp0, $4  }
0xc: {  	s31 =	sshrl.u32 s10, $0x1;
	s12 =	sadd.s32 s6, s4;
	v2 =	vunpack.c.0.s8.s32 v0;
	s11 =	sadd.s32 s7, s4  }
0xd: {  	vm0 =	vmmov $0x1;
	v5 =	vimm.s32 $0x0;
	v3 =	vunpack.c.0.s8.s32 v1;
	s8 =	ssub.s32 s10, s31;
	s5 =	sadd.s32 s5, s7;
	s6 =	sadd.s32 $0x9800, s12  }
0xe: {  	v0 =	vlaneseq.u32;
	v1 =	vimm.f32 $0.0e+00;
	s7 =	sadd.s32 $0x9A00, s12;
	s10 =	simm.s32 $0x6280;
	s12 =	simm.s32 $0x1;
	v4 =	vand.u32 $0xF, v2  }
0xf: {  	s4 =	sadd.s32 $0x1800, s11;
	s8 =	smax.u32 s8, $0x1;
	s11 =	simm.s32 $0x2;
	v2 =	vmul.u32 $0x80, v0;
	v3 =	vcombine.low v3, v4;
	v4 =	vimm.s32 $0x2000  }
.LBB2_22:
0x10: {  	[sflag:s11] =	ssyncadd.s32 $0xFFFFFF80  }
.LBB2_23:
0x11: {  	[bflag:$0x0] =	sbarrier.arrive $0xFFFF;
	s18 =	sshrl.u32 @!p0 s1, $0x3;
	s19 =	simm.s32 @!p0 $0x1  }
0x12: {  	s20 =	simm.s32 @!p0 $0x20;
	s21 =	simm.s32 @!p0 $0x10;
	s22 =	simm.s32 @!p0 $0x1C02  }
0x13: {  	[hbm:s6@s20], [sflag:s22] =	dma.strided @!p0 [spmem:s18@s21], $0x100, s19, $0x10   }
0x14: {  	s18 =	simm.s32 @!p0 $0x2  }
0x15: {  	s17 =	sadd.s32 $0x1, s17;
	_ =	swait.ge @!p0 [sflag:s18], $0x100  }
0x16: {  	p1 =	sne.s32 s17, s8;
	[sflag:s18] =	ssyncset.done @!p0 $0x0  }
.Ltmp1:
0x17: {  	s23 =	sshrl.u32 @!p0 s2, $0x3;
	[sflag:s18] =	ssyncadd.s32 @!p0 $0xFFFFFF00;
	(pc) =	sbr.rel @!p1 .LBB2_24-.Ltmp1, $4  }
0x18: {  	[hbm:s7@s20], [sflag:s22] =	dma.strided @!p0 [spmem:s23@s21], $0x100, s19, $0x10   }
0x19: {  	_ =	swait.ge @!p0 [sflag:s18], $0x100  }
0x1a: {  	[sflag:s18] =	ssyncset.done @!p0 $0x0  }
0x1b: {  	[sflag:s18] =	ssyncadd.s32 @!p0 $0xFFFFFF00  }
.LBB2_1:
.Ltmp2:
0x1c: {  	(pc) =	sbr.rel @p0 .LBB2_5-.Ltmp2, $4  }
0x1d: {  	_ = 	snop  }
0x1e: {  	[tilespmem:s3], [sflag:$0x1] =	stream.linear.gather [hbm4b:s4+s3], $0x2000, $0x38;
	[tilespmem:$0x6B80] =	vst v63  }
0x1f: {  	_ = 	snop  }
0x20: {  	[tilespmem:s9], [sflag:$0x1] =	stream.linear.gather [hbm4b:s5+s3], $0x2000, $0x38;
	[tilespmem:$0x6B80] =	vst v63  }
0x21: {  	s18 =	simm.s32 $0x40;
	s19 =	simm.s32 $0x0  }
.LBB2_3:
0x22: {  	p1 =	sne.s32 s18, $0x1FC0;
	[tilespmem:s19+$0x6280] =	vst v1;
	s19 =	smov.u32 s18;
	s18 =	sadd.s32 $0x40, s18  }
.Ltmp3:
0x23: {  	(pc) =	sbr.rel @p1 .LBB2_3-.Ltmp3, $2  }
0x24: {  	_ =	sdelay $0x2  }
0x25: {  	s19 =	sshra.s32 s19, $0x2  }
0x26: {  	[tilespmem:s19+$0x6280] =	vst v1  }
0x27: {  	[spmem:s1] =	stream.linear.scatter [tilespmem:s10], [sflag:$0x2], $0x800, $0x38;
	[tilespmem:$0x6B80] =	vst v63  }
0x28: {  	_ =	swait.ge [sflag:s11], $0x800  }
0x29: {  	[sflag:s11] =	ssyncset.done $0x0  }
0x2a: {  	[sflag:s11] =	ssyncadd.s32 $0xFFFFF800  }
0x2b: {  	[spmem:s2] =	stream.linear.scatter [tilespmem:s10], [sflag:$0x2], $0x800, $0x38;
	[tilespmem:$0x6B80] =	vst v63  }
0x2c: {  	_ =	swait.ge [sflag:s11], $0x800  }
0x2d: {  	[sflag:s11] =	ssyncset.done $0x0  }
0x2e: {  	[sflag:s11] =	ssyncadd.s32 $0xFFFFF800  }
.LBB2_5:
0x2f: {  	s18 =	simm.s32 $0x0  }
0x30: {  	v6 =	vmov s18  }
0x31: {  	v6 =	vshll.u32 v6, $0x7  }
0x32: {  	_ =	swait.ge [sflag:s12], $0x2000;
	v6 =	vor.u32 v2, v6  }
0x33: {  	[sflag:s12] =	ssyncset.done $0x0;
	v6 =	vor.u32 $0x7F, v6  }
0x34: {  	[sflag:s12] =	ssyncadd.s32 $0xFFFFE000  }
0x35: {  	_ =	swait.ge [sflag:s12], $0x2000  }
0x36: {  	[sflag:s12] =	ssyncset.done $0x0  }
0x37: {  	[sflag:s12] =	ssyncadd.s32 $0xFFFFE000  }
0x38: {  	v6 =	vld.idx.msk [tilespmem:v6+s3+$0x0], $0xffff;
	_ =	sdelay $0x4  }
0x39: {  	(xrf2) =	vadd.scan.msk.f32 $0xffff, v6;
	_ =	sdelay $0x8  }
0x3a: {  	s31 =	simm.s32 $0x10  }
0x3b: {  	v8 =	vmov s31;
	v7, _, _ =	vpop (xrf2)  }
0x3c: {  	v8 =	vshll.u32 v8, $0x7;
	(v2sf) =	vpush v7, $0xF  }
0x3d: {  	v8 =	vor.u32 v2, v8  }
0x3e: {  	v8 =	vor.u32 $0x7F, v8;
	v6 =	vsub.f32 v7, v6  }
0x3f: {  	s19 =	simm.f32 $0.0e+00  }
0x40: {  	v6 =	vadd.f32 s19, v6  }
0x41: {  	s18 =	simm.s32 $0x4000  }
0x42: {  	[tilespmem:s18+$0x0] =	vst v6  }
0x43: {  	v6 =	vld.idx.msk [tilespmem:v8+s3+$0x0], $0xffff;
	_ =	sdelay $0x4  }
0x44: {  	(xrf2) =	vadd.scan.msk.f32 $0xffff, v6;
	_ =	sdelay $0x2  }
0x45: {  	s20 =	simm.s32 $0x20;
	s21 =	spop (v2sf)  }
.LBB2_6:
0x46: {  	s19 =	sadd.f32 s21, s19  }
0x47: {  	s18 =	sadd.s32 $0x10, s18;
	s21 =	smov.u32 s20;
	s22 =	sadd.s32 $0x10, s20  }
0x48: {  	p1 =	sne.s32 s20, $0x30;
	_ =	sdelay $0x1  }
0x49: {  	v7 =	vmov s21  }
0x4a: {  	v7 =	vshll.u32 v7, $0x7  }
0x4b: {  	v7 =	vor.u32 v2, v7;
	v8, _, _ =	vpop (xrf2)  }
0x4c: {  	v7 =	vor.u32 $0x7F, v7;
	v6 =	vsub.f32 v8, v6;
	(v2sf) =	vpush v8, $0xF;
	_ =	sdelay $0x1  }
0x4d: {  	v6 =	vadd.f32 s19, v6;
	_ =	sdelay $0x1  }
0x4e: {  	[tilespmem:s18+$0x0] =	vst v6  }
0x4f: {  	v6 =	vld.idx.msk [tilespmem:v7+s3+$0x0], $0xffff;
	_ =	sdelay $0x5  }
.Ltmp4:
0x50: {  	(xrf2) =	vadd.scan.msk.f32 $0xffff, v6;
	(pc) =	sbr.rel @p1 .LBB2_6-.Ltmp4, $2  }
0x51: {  	_ =	sdelay $0x2  }
0x52: {  	s20 =	smov.u32 s22;
	s21 =	spop (v2sf)  }
0x53: {  	_ =	sdelay $0x4  }
0x54: {  	v7, _, _ =	vpop (xrf2)  }
0x55: {  	s19 =	sadd.f32 s21, s19;
	v6 =	vsub.f32 v7, v6;
	_ =	sdelay $0x1  }
0x56: {  	v6 =	vadd.f32 s19, v6  }
0x57: {  	s18 =	sadd.s32 $0x10, s18  }
0x58: {  	[tilespmem:s18+$0x0] =	vst v6  }
0x59: {  	v6 =	vld [tilespmem:$0x2000]  }
0x5a: {  	v8 =	vld.idx.msk [tilespmem:v3+s9+$0x0], $0xffff;
	_ =	sdelay $0x4  }
0x5b: {  	vm1 =	vne.s32 v6, v8  }
0x5c: {  	vm1 =	vmor vm1, vm0  }
0x5d: {  	v8 =	vmpcnt.ones.xlane vm1;
	_ =	sdelay $0x1  }
0x5e: {  	v8 =	vxor.u32 $0x80000000, v8  }
0x5f: {  	(xrf0) =	vmax.scan.msk.u32 $0xffff, v8;
	_ =	sdelay $0x5  }
0x60: {  	(v2sf) =	vpush v7, $0xF;
	v7, _, _ =	vpop (xrf0)  }
0x61: {  	(v2sf) =	vpush v7, $0xF;
	_ =	sdelay $0x1  }
0x62: {  	s26 =	simm.s32 $0xF  }
0x63: {  	v7 =	vadd.s32 s26, v0  }
0x64: {  	vm2 =	vgt.s32 v7, $0x0  }
0x65: {  	v7 =	vnsel vm2, $0x0, v7;
	_ =	sdelay $0x2  }
0x66: {  	[tilespmem:s13+$0x0] =	vst.msk vm1, v0  }
0x67: {  	[tilespmem:s14+$0x0] =	vst.msk vm1, v6  }
0x68: {  	s28 =	simm.s32 $0x2010;
	v6 =	vld.idx.msk [tilespmem:v7+s9+$0x0], $0xffff  }
0x69: {  	v7 =	vld [tilespmem:s28+$0x0];
	_ =	sdelay $0x1  }
0x6a: {  	s29 =	simm.s32 $0x1F  }
0x6b: {  	v8 =	vadd.s32 s29, v0;
	s30 =	spop (v2sf)  }
0x6c: {  	s31 =	simm.s32 $0x10;
	vm1 =	vgt.s32 v8, $0x0;
	s18 =	spop (v2sf)  }
0x6d: {  	v8 =	vnsel vm1, $0x0, v8;
	vm1 =	vne.s32 v7, v6;
	v6 =	vor.u32 s31, v0;
	s20 =	sxor.u32 $0x80000000, s18  }
0x6e: {  	[tilespmem:s20+$0x4080] =	vst.msk vm1, v6  }
0x6f: {  	[tilespmem:s20+$0x4900] =	vst.msk vm1, v7;
	v7 =	vmpcnt.ones.xlane vm1;
	_ =	sdelay $0x1  }
0x70: {  	v7 =	vxor.u32 $0x80000000, v7  }
0x71: {  	s19 =	simm.s32 $0x2020;
	v8 =	vld.idx.msk [tilespmem:v8+s9+$0x0], $0xffff;
	(xrf0) =	vmax.scan.msk.u32 $0xffff, v7  }
0x72: {  	v6 =	vld [tilespmem:s19+$0x0];
	_ =	sdelay $0x4  }
0x73: {  	vm1 =	vne.s32 v6, v8;
	v8, _, _ =	vpop (xrf0)  }
0x74: {  	(v2sf) =	vpush v8, $0xF;
	_ =	sdelay $0x8  }
0x75: {  	v7 =	vmpcnt.ones.xlane vm1;
	_ =	sdelay $0x1  }
0x76: {  	v7 =	vxor.u32 $0x80000000, v7  }
0x77: {  	s21 =	simm.s32 $0x20;
	(xrf0) =	vmax.scan.msk.u32 $0xffff, v7  }
0x78: {  	s23 =	simm.s32 $0x2F;
	s22 =	simm.s32 $0x40;
	s18 =	simm.s32 $0x30  }
.LBB2_8:
0x79: {  	p1 =	sne.s32 s22, $0x1FF0;
	v7 =	vadd.s32 s23, v0  }
0x7a: {  	vm2 =	vgt.s32 v7, $0x0;
	s23 =	spop (v2sf)  }
0x7b: {  	v7 =	vnsel vm2, $0x0, v7;
	s20 =	sadd.s32 s23, s20  }
0x7c: {  	v9 =	vor.u32 s21, v0;
	s21 =	smov.u32 s18;
	s18 =	smov.u32 s22;
	s20 =	sadd.s32 $0x80000000, s20  }
0x7d: {  	[tilespmem:s20+$0x4080] =	vst.msk vm1, v9;
	v8, _, _ =	vpop (xrf0)  }
0x7e: {  	[tilespmem:s20+$0x4900] =	vst.msk vm1, v6;
	(v2sf) =	vpush v8, $0xF;
	_ =	sdelay $0x1  }
0x7f: {  	s19 =	sadd.s32 $0x10, s19;
	v7 =	vld.idx.msk [tilespmem:v7+s9+$0x0], $0xffff  }
0x80: {  	v6 =	vld [tilespmem:s19+$0x0];
	_ =	sdelay $0x4  }
0x81: {  	vm1 =	vne.s32 v6, v7  }
.Ltmp5:
0x82: {  	v7 =	vmpcnt.ones.xlane vm1;
	(pc) =	sbr.rel @p1 .LBB2_8-.Ltmp5, $4  }
0x83: {  	_ = 	snop  }
0x84: {  	v7 =	vxor.u32 $0x80000000, v7  }
0x85: {  	(xrf0) =	vmax.scan.msk.u32 $0xffff, v7  }
0x86: {  	s22 =	sadd.s32 $0x10, s22;
	s23 =	sadd.s32 $0xFFFFFFFF, s18  }
0x87: {  	v7 =	vadd.s32 s23, v0  }
0x88: {  	vm2 =	vgt.s32 v7, $0x0  }
0x89: {  	s22 =	spop (v2sf);
	v7 =	vnsel vm2, $0x0, v7  }
0x8a: {  	s20 =	sadd.s32 s22, s20  }
0x8b: {  	v8 =	vor.u32 s21, v0;
	s20 =	sadd.s32 $0x80000000, s20  }
0x8c: {  	[tilespmem:s20+$0x4080] =	vst.msk vm1, v8  }
0x8d: {  	[tilespmem:s20+$0x4900] =	vst.msk vm1, v6  }
0x8e: {  	s19 =	sadd.s32 $0x10, s19;
	v6 =	vld.idx.msk [tilespmem:v7+s9+$0x0], $0xffff  }
0x8f: {  	v7 =	vld [tilespmem:s19+$0x0];
	_ =	sdelay $0x4  }
0x90: {  	vm1 =	vne.s32 v7, v6  }
0x91: {  	v6 =	vmpcnt.ones.xlane vm1;
	_ =	sdelay $0x1  }
0x92: {  	v6 =	vxor.u32 $0x80000000, v6  }
0x93: {  	(xrf0) =	vmax.scan.msk.u32 $0xffff, v6;
	_ =	sdelay $0x3  }
0x94: {  	v6, _, _ =	vpop (xrf0)  }
0x95: {  	(v2sf) =	vpush v6, $0xF  }
0x96: {  	v6, _, _ =	vpop (xrf0)  }
0x97: {  	(v2sf) =	vpush v6, $0xF;
	_ =	sdelay $0xc  }
0x98: {  	s29 =	spop (v2sf)  }
0x99: {  	s19 =	sadd.s32 s29, s20  }
0x9a: {  	s20 =	sadd.s32 $0x80000000, s19;
	s30 =	spop (v2sf)  }
0x9b: {  	s19 =	sadd.s32 s30, s20  }
0x9c: {  	s19 =	sadd.s32 $0x80000000, s19  }
0x9d: {  	s31 =	sadd.s32 $0xF, s19  }
0x9e: {  	v6 =	vor.u32 s18, v0;
	s18 =	sshra.s32 s31, $0x4  }
0x9f: {  	p1 =	slt.s32 s18, $0x1  }
.Ltmp6:
0xa0: {  	_ = 	snop;
	(pc) =	sbr.rel @p1 .LBB2_16-.Ltmp6, $4  }
0xa1: {  	_ = 	snop  }
0xa2: {  	[tilespmem:s20+$0x4080] =	vst.msk vm1, v6  }
0xa3: {  	[tilespmem:s20+$0x4900] =	vst.msk vm1, v7  }
0xa4: {  	[tilespmem:s19+$0x4080] =	vst v4  }
0xa5: {  	p2 =	sne.s32 s18, $0x1  }
.Ltmp7:
0xa6: {  	_ = 	snop;
	(pc) =	sbr.rel @!p2 .LBB2_11-.Ltmp7, $4  }
0xa7: {  	_ = 	snop  }
0xa8: {  	s21 =	simm.s32 $0x5180  }
0xa9: {  	s20 =	simm.s32 $0x5A00;
	s24 =	simm.s32 $0x1;
	s25 =	simm.s32 $0x0  }
0xaa: {  	v6 =	vmov s19;
	s22 =	simm.s32 $0x4900;
	s23 =	sadd.s32 $0xFFFFFFFF, s18;
	p1 =	por $0x0, $0x0;
	v7 =	vor.u32 s25, v0;
	v8 =	vadd.s32 s24, v0  }
0xab: {  	_ =	sdelay $0x3  }
0xac: {  	v9 =	vld.idx.msk [tilespmem:v7+s13+$0x0], $0xffff  }
0xad: {  	v8 =	vld.idx.msk [tilespmem:v8+s13+$0x0], $0xffff;
	_ =	sdelay $0x3  }
0xae: {  	v10 =	vadd.s32 $0xFFFFFFFF, v9  }
0xaf: {  	v11 =	vadd.s32 $0xFFFFFFFF, v8;
	vm1 =	vgt.s32 v10, $0x0  }
0xb0: {  	vm2 =	vgt.s32 v11, $0x0;
	v10 =	vnsel vm1, $0x0, v10  }
0xb1: {  	v11 =	vnsel vm2, $0x0, v11;
	v10 =	vmin.u32 v10, $0x1FFF  }
0xb2: {  	v11 =	vmin.u32 v11, $0x1FFF  }
0xb3: {  	v12 =	vshrl.u32 v10, $0x7  }
0xb4: {  	v13 =	vshrl.u32 v11, $0x7;
	_ =	sdelay $0x1  }
0xb5: {  	v10 =	vld.idx.msk [tilespmem:v10+s3+$0x0], $0xffff  }
0xb6: {  	v11 =	vld.idx.msk [tilespmem:v11+s3+$0x0], $0xffff  }
0xb7: {  	v12 =	vld.idx.msk [tilespmem:v12+s15+$0x0], $0xffff  }
0xb8: {  	v13 =	vld.idx.msk [tilespmem:v13+s15+$0x0], $0xffff;
	_ =	sdelay $0x3  }
0xb9: {  	v10 =	vadd.f32 v12, v10  }
0xba: {  	v63 =	vld.idx.msk [tilespmem:v7+s14+$0x0], $0xffff;
	p2 =	sne.s32 s23, $0x1;
	vm1 =	vgt.s32 v9, $0x0;
	v11 =	vadd.f32 v13, v11  }
.Ltmp8:
0xbb: {  	v10 =	vnsel vm1, $0x0, v10;
	(pc) =	sbr.rel @!p2 .LBB2_13-.Ltmp8, $4  }
0xbc: {  	s31 =	simm.s32 $0x10;
	v8 =	vsub.s32 v8, v9;
	v9 =	vsub.f32 v11, v10  }
0xbd: {  	s28 =	simm.s32 $0x11;
	vm1 =	vlt.s32 v7, v6;
	v7 =	vor.u32 s31, v0;
	v10 =	vcvt.s32.f32 v8  }
0xbe: {  	s26 =	sadd.s32 $0xFFFFFFFF, s23;
	p1 =	por $0x1, $0x1;
	s23 =	simm.s32 $0x5A00;
	v8 =	vadd.s32 s28, v0;
	v11 =	vnsel vm1, $0x0, v9  }
0xbf: {  	s25 =	simm.s32 $0x5180;
	s24 =	simm.s32 $0x4900;
	s29 =	simm.s32 $0x4900;
	v9 =	vnsel vm1, $0x0, v10;
	v10 =	vnsel vm1, $0x0, v63;
	[tilespmem:s21+$0x0] =	vst v11  }
.LBB2_14:
0xc0: {  	[tilespmem:s23+$0x0] =	vst v9;
	s25 =	sadd.s32 $0x10, s25;
	s23 =	sadd.s32 $0x10, s23;
	s24 =	sadd.s32 $0x10, s24  }
0xc1: {  	p2 =	sne.s32 s26, $0x1;
	s26 =	sadd.s32 $0xFFFFFFFF, s26;
	[tilespmem:s29+$0x0] =	vst v10;
	s29 =	smov.u32 s24  }
0xc2: {  	v9 =	vld.idx.msk [tilespmem:v7+s13+$0x0], $0xffff  }
0xc3: {  	v8 =	vld.idx.msk [tilespmem:v8+s13+$0x0], $0xffff;
	_ =	sdelay $0x4  }
0xc4: {  	v10 =	vadd.s32 $0xFFFFFFFF, v9  }
0xc5: {  	v11 =	vadd.s32 $0xFFFFFFFF, v8;
	vm1 =	vgt.s32 v10, $0x0;
	v8 =	vsub.s32 v8, v9  }
0xc6: {  	vm2 =	vgt.s32 v11, $0x0;
	v10 =	vnsel vm1, $0x0, v10;
	v12 =	vcvt.s32.f32 v8  }
0xc7: {  	v8 =	vnsel vm2, $0x0, v11;
	v10 =	vmin.u32 v10, $0x1FFF  }
0xc8: {  	v8 =	vmin.u32 v8, $0x1FFF;
	v11 =	vshrl.u32 v10, $0x7  }
0xc9: {  	v13 =	vshrl.u32 v8, $0x7;
	_ =	sdelay $0x2  }
0xca: {  	v10 =	vld.idx.msk [tilespmem:v10+s3+$0x0], $0xffff  }
0xcb: {  	v11 =	vld.idx.msk [tilespmem:v11+s15+$0x0], $0xffff  }
0xcc: {  	v13 =	vld.idx.msk [tilespmem:v13+s15+$0x0], $0xffff  }
0xcd: {  	v8 =	vld.idx.msk [tilespmem:v8+s3+$0x0], $0xffff;
	_ =	sdelay $0x3  }
0xce: {  	v10 =	vadd.f32 v11, v10  }
0xcf: {  	vm1 =	vgt.s32 v9, $0x0;
	v11 =	vld.idx.msk [tilespmem:v7+s14+$0x0], $0xffff  }
0xd0: {  	v8 =	vadd.f32 v13, v8;
	v9 =	vnsel vm1, $0x0, v10  }
.Ltmp9:
0xd1: {  	s28 =	sadd.s32 $0x10, s28;
	(pc) =	sbr.rel @p2 .LBB2_14-.Ltmp9, $4  }
0xd2: {  	s30 =	sadd.s32 $0xFFFFFFFF, s28;
	vm1 =	vlt.s32 v7, v6;
	v9 =	vsub.f32 v8, v9  }
0xd3: {  	v7 =	vor.u32 s30, v0  }
0xd4: {  	v8 =	vadd.s32 s28, v0;
	v10 =	vnsel vm1, $0x0, v9;
	v9 =	vnsel vm1, $0x0, v12  }
0xd5: {  	[tilespmem:s25+$0x0] =	vst v10;
	v10 =	vnsel vm1, $0x0, v11  }
.LBB2_15:
0xd6: {  	_ =	sdelay $0x1  }
0xd7: {  	[tilespmem:s23+$0x0] =	vst @p1 v9  }
0xd8: {  	[tilespmem:s29+$0x0] =	vst @p1 v10  }
0xd9: {  	v9 =	vld.idx.msk [tilespmem:v7+s13+$0x0], $0xffff  }
0xda: {  	v8 =	vld.idx.msk [tilespmem:v8+s13+$0x0], $0xffff;
	_ =	sdelay $0x3  }
0xdb: {  	v61 =	vadd.s32 $0xFFFFFFFF, v9  }
0xdc: {  	v11 =	vadd.s32 $0xFFFFFFFF, v8;
	vm1 =	vgt.s32 v61, $0x0  }
0xdd: {  	vm2 =	vgt.s32 v11, $0x0;
	v10 =	vnsel vm1, $0x0, v61  }
0xde: {  	v11 =	vnsel vm2, $0x0, v11;
	v10 =	vmin.u32 v10, $0x1FFF  }
0xdf: {  	v11 =	vmin.u32 v11, $0x1FFF  }
0xe0: {  	v12 =	vshrl.u32 v10, $0x7  }
0xe1: {  	v13 =	vshrl.u32 v11, $0x7;
	_ =	sdelay $0x1  }
0xe2: {  	v10 =	vld.idx.msk [tilespmem:v10+s3+$0x0], $0xffff  }
0xe3: {  	v11 =	vld.idx.msk [tilespmem:v11+s3+$0x0], $0xffff  }
0xe4: {  	v12 =	vld.idx.msk [tilespmem:v12+s15+$0x0], $0xffff  }
0xe5: {  	v13 =	vld.idx.msk [tilespmem:v13+s15+$0x0], $0xffff;
	_ =	sdelay $0x3  }
0xe6: {  	v10 =	vadd.f32 v12, v10  }
0xe7: {  	vm1 =	vgt.s32 v9, $0x0;
	v11 =	vadd.f32 v13, v11  }
0xe8: {  	v62 =	vld.idx.msk [tilespmem:v7+s14+$0x0], $0xffff;
	v10 =	vnsel vm1, $0x0, v10  }
0xe9: {  	v8 =	vsub.s32 v8, v9;
	v63 =	vsub.f32 v11, v10  }
0xea: {  	s25 =	sadd.s32 @p1 $0x10, s25;
	v8 =	vcvt.s32.f32 v8;
	vm1 =	vlt.s32 v7, v6  }
0xeb: {  	s23 =	sadd.s32 @p1 $0x10, s23;
	s21 =	smov.u32 @p1 s25;
	v6 =	vnsel vm1, $0x0, v63  }
0xec: {  	s24 =	sadd.s32 @p1 $0x10, s24;
	s20 =	smov.u32 @p1 s23;
	v7 =	vnsel vm1, $0x0, v8;
	[tilespmem:s21+$0x0] =	vst v6  }
0xed: {  	s22 =	smov.u32 @p1 s24;
	v6 =	vnsel vm1, $0x0, v62;
	[tilespmem:s20+$0x0] =	vst v7  }
0xee: {  	[tilespmem:s22+$0x0] =	vst v6  }
.LBB2_16:
0xef: {  	s19 =	sadd.s32 $0x7F, s19  }
0xf0: {  	s19 =	sshra.s32 s19, $0x7  }
0xf1: {  	s20 =	sshll.u32 s19, $0x3  }
0xf2: {  	p1 =	sle.s32 s20, s18  }
.Ltmp10:
0xf3: {  	_ = 	snop;
	(pc) =	sbr.rel @p1 .LBB2_19-.Ltmp10, $1  }
0xf4: {  	_ =	sdelay $0x3  }
0xf5: {  	s23 =	ssub.s32 s20, s18  }
0xf6: {  	s21 =	sshll.u32 s18, $0x6;
	p1 =	sne.s32 s23, $0x1  }
.Ltmp11:
0xf7: {  	s21 =	sshra.s32 s21, $0x2;
	(pc) =	sbr.rel @!p1 .LBB2_19-.Ltmp11, $4  }
0xf8: {  	s22 =	sadd.s32 $0x5180, s21  }
0xf9: {  	s18 =	sadd.s32 $0x5A00, s21;
	[tilespmem:s22+$0x0] =	vst v1  }
0xfa: {  	s20 =	sadd.s32 $0x4900, s21;
	[tilespmem:s18+$0x0] =	vst v1  }
0xfb: {  	s21 =	sadd.s32 $0xFFFFFFFF, s23;
	s22 =	sadd.s32 $0x10, s22;
	[tilespmem:s20+$0x0] =	vst v5  }
.LBB2_18:
0xfc: {  	[tilespmem:s22+$0x0] =	vst v1;
	s18 =	sadd.s32 $0x10, s18;
	p1 =	sne.s32 s21, $0x1  }
.Ltmp12:
0xfd: {  	s20 =	sadd.s32 $0x10, s20;
	[tilespmem:s18+$0x0] =	vst v1;
	(pc) =	sbr.rel @p1 .LBB2_18-.Ltmp12, $2  }
0xfe: {  	s21 =	sadd.s32 $0xFFFFFFFF, s21;
	[tilespmem:s20+$0x0] =	vst v5;
	_ =	sdelay $0x2  }
0xff: {  	s22 =	sadd.s32 $0x10, s22  }
.LBB2_19:
0x100: {  	p1 =	slt.s32 s19, $0x1  }
.Ltmp13:
0x101: {  	_ = 	snop;
	(pc) =	sbr.rel @p1 .LBB2_23-.Ltmp13, $2  }
0x102: {  	_ =	sdelay $0x1  }
0x103: {  	[bflag:$0x0] =	sbarrier.arrive $0xFFFF;
	_ =	sdelay $0x1  }
0x104: {  	s18 =	simm.s32 $0x5180;
	s20 =	simm.s32 $0x4900  }
0x105: {  	[spmem:s1] =	stream.indirect.scatter.add.f32 [tilespmem:s18], [sflag:$0x2], $0x1, s20, s16, $0xb8;
	[tilespmem:$0x6B80] =	vst v63  }
0x106: {  	p1 =	sne.s32 s19, $0x1;
	_ =	swait.ge [sflag:s11], $0x80  }
.Ltmp14:
0x107: {  	[sflag:s11] =	ssyncset.done $0x0;
	(pc) =	sbr.rel @!p1 .LBB2_22-.Ltmp14, $4  }
0x108: {  	s21 =	simm.s32 $0x5A00;
	[sflag:s11] =	ssyncadd.s32 $0xFFFFFF80  }
0x109: {  	[spmem:s2] =	stream.indirect.scatter.add.f32 [tilespmem:s21], [sflag:$0x2], $0x1, s20, s16, $0xb8;
	[tilespmem:$0x6B80] =	vst v63  }
0x10a: {  	_ =	swait.ge [sflag:s11], $0x80  }
0x10b: {  	s19 =	sadd.s32 $0xFFFFFFFF, s19;
	s21 =	simm.s32 $0x5A80;
	[sflag:s11] =	ssyncset.done $0x0  }
.LBB2_21:
0x10c: {  	[sflag:s11] =	ssyncadd.s32 $0xFFFFFF80;
	s18 =	sadd.s32 $0x80, s18;
	s20 =	sadd.s32 $0x80, s20  }
0x10d: {  	[spmem:s1] =	stream.indirect.scatter.add.f32 [tilespmem:s18], [sflag:$0x2], $0x1, s20, s16, $0xb8;
	[tilespmem:$0x6B80] =	vst v63  }
0x10e: {  	p1 =	sne.s32 s19, $0x1;
	s19 =	sadd.s32 $0xFFFFFFFF, s19;
	_ =	swait.ge [sflag:s11], $0x80  }
.Ltmp15:
0x10f: {  	[sflag:s11] =	ssyncset.done $0x0;
	(pc) =	sbr.rel @p1 .LBB2_21-.Ltmp15, $4  }
0x110: {  	[sflag:s11] =	ssyncadd.s32 $0xFFFFFF80  }
0x111: {  	[spmem:s2] =	stream.indirect.scatter.add.f32 [tilespmem:s21], [sflag:$0x2], $0x1, s20, s16, $0xb8;
	[tilespmem:$0x6B80] =	vst v63  }
0x112: {  	_ =	swait.ge [sflag:s11], $0x80  }
0x113: {  	s21 =	sadd.s32 $0x80, s21;
	[sflag:s11] =	ssyncset.done $0x0  }
.Ltmp16:
0x114: {  	_ = 	snop;
	(pc) =	sbr.rel .LBB2_22-.Ltmp16, $1  }
0x115: {  	_ =	sdelay $0x3  }
.LBB2_11:
.Ltmp17:
0x116: {  	(pc) =	sbr.rel .LBB2_15-.Ltmp17, $2  }
0x117: {  	_ =	sdelay $0x2  }
0x118: {  	s23 =	simm.s32 $0x5A00;
	s25 =	simm.s32 $0x5180;
	s24 =	simm.s32 $0x4900  }
.LBB2_13:
.Ltmp18:
0x119: {  	(pc) =	sbr.rel .LBB2_15-.Ltmp18, $3  }
0x11a: {  	_ =	sdelay $0x1  }
0x11b: {  	s23 =	simm.s32 $0x5A00  }
0x11c: {  	s25 =	simm.s32 $0x5180;
	s24 =	simm.s32 $0x4900;
	s29 =	simm.s32 $0x4900  }
.LBB2_24:
0x11d: {  	_ =	sfence.sel $0x180000  }
0x11e: {  	[bflag:$0x0] =	sbarrier.arrive $0xFFFF  }
0x11f: {  	_ =	strace $0x90000047  }
0x120: {  	s0 =	sadd.s32 @!p0 $0x100000, s0;
	[bflag:$0x2] =	sbarrier.arrive $0xFFFF  }
0x121: {  	[sflag:s0] =	ssyncadd.tile.s32 @!p0 $0x1;
	_ =	shalt  }
.Lfunc_end2:
_tile_overlayer_lowered:
.L_overlay_start_2:
0x122: {  	(tag) =	ssettag $0x2  }
0x123: {  	s0 =	rddreg [dreg:$0x0];
	s2 =	stileid.u32  }
0x124: {  	s1 =	rddreg [dreg:$0x1];
	p0 =	sne.s32 s2, $0x0  }
0x125: {  	s3 =	rddreg [dreg:$0x2];
	[bflag:$0x3] =	sbarrier.arrive $0xFFFF;
	s2 =	simm.s32 @!p0 $0x1C02  }
0x126: {  	[timem:s3], [sflag:s2] =	dma.local @!p0 [hbm:s0], s1  }
0x127: {  	s0 =	simm.s32 @!p0 $0x2  }
0x128: {  	_ =	swait.ge @!p0 [sflag:s0], s1  }
0x129: {  	s1 =	ssub.s32 @!p0 $0x0, s1;
	[sflag:s0] =	ssyncset.done @!p0 $0x0  }
0x12a: {  	[sflag:s0] =	ssyncadd.s32 @!p0 s1  }
0x12b: {  	[bflag:$0x3] =	sbarrier.arrive $0xFFFF  }
0x12c: {  	_ =	shalt  }

</sc_bundles>
